<compile_context>
chip_gen: v7x
topology: tpu7x:2x2x1
jax: 0.10.2.dev20260603
libtpu: 0.0.44.dev20260713+nightly
codegen_flags: <defaults>
</compile_context>

<pallas_src>
import jax
import jax.numpy as jnp
from jax import lax
from jax.experimental import pallas as pl
from jax.experimental.pallas import tpu as pltpu
from jax.experimental.pallas import tpu_sc as plsc

N = 10000
D = 128
K = 16
EPS = 1e-5
NPAD = 10240
NPADC = 10752
BR = 128
NB = NPAD // BR
BC = 512
BRA = 256
NA = NPAD // BRA
NAC = NPADC // BRA
FINF = float("inf")
IBIG = 2**30

_pallas_call = pl.pallas_call


def _prep_body(apply_bn, x_ref, batch_ref, sums_ref, g_ref, bt_ref,
               xo_ref, sq_ref, segs_ref):
    b = pl.program_id(0)
    x = x_ref[...]
    if apply_bn:
        mu = sums_ref[0:1, :] / N
        var = sums_ref[1:2, :] / N - mu * mu
        x = (x - mu) * lax.rsqrt(var + EPS) * g_ref[0:1, :] + bt_ref[0:1, :]
        x = jnp.maximum(x, 0.0)
        xo_ref[...] = x
    sq_ref[...] = jnp.sum(x * x, axis=1, keepdims=True)
    if segs_ref is not None:
        bt = batch_ref[...]
        th = lax.broadcasted_iota(jnp.int32, (BRA, 128), 1)
        cnt = jnp.sum(jnp.where(bt < th, 1, 0), axis=0, keepdims=True)

        @pl.when(b == 0)
        def _():
            segs_ref[...] = jnp.zeros((8, 128), jnp.int32)

        segs_ref[0:1, :] += cnt


def _prep1(xp, batchr):
    def wrapped(x_ref, batch_ref, sq_ref, segs_ref):
        _prep_body(False, x_ref, batch_ref, None, None, None,
                   None, sq_ref, segs_ref)

    return _pallas_call(
        wrapped,
        grid=(NAC,),
        in_specs=[
            pl.BlockSpec((BRA, D), lambda b: (b, 0)),
            pl.BlockSpec((BRA, 1), lambda b: (b, 0)),
        ],
        out_specs=[
            pl.BlockSpec((BRA, 1), lambda b: (b, 0)),
            pl.BlockSpec((8, 128), lambda b: (0, 0)),
        ],
        out_shape=[
            jax.ShapeDtypeStruct((NPADC, 1), jnp.float32),
            jax.ShapeDtypeStruct((8, 128), jnp.int32),
        ],
    )(xp, batchr)


def _prep2(h, sums, g, bt):
    def wrapped(x_ref, sums_ref, g_ref, bt_ref, xo_ref, sq_ref):
        _prep_body(True, x_ref, None, sums_ref, g_ref, bt_ref,
                   xo_ref, sq_ref, None)

    return _pallas_call(
        wrapped,
        grid=(NAC,),
        in_specs=[
            pl.BlockSpec((BRA, D), lambda b: (b, 0)),
            pl.BlockSpec((8, 128), lambda b: (0, 0)),
            pl.BlockSpec((8, 128), lambda b: (0, 0)),
            pl.BlockSpec((8, 128), lambda b: (0, 0)),
        ],
        out_specs=[
            pl.BlockSpec((BRA, D), lambda b: (b, 0)),
            pl.BlockSpec((BRA, 1), lambda b: (b, 0)),
        ],
        out_shape=[
            jax.ShapeDtypeStruct((NPADC, D), jnp.float32),
            jax.ShapeDtypeStruct((NPADC, 1), jnp.float32),
        ],
    )(h, sums, g, bt)


FBIG = float(2**25)


def _topk_body(x_ref, sqr_ref, sqc_ref, br_ref, bc_ref, cb_ref, idx_ref):
    b = pl.program_id(0)
    r0 = pl.multiple_of(b * BR, BR)
    xr = x_ref[pl.ds(r0, BR), :]
    sr = sqc_ref[0:1, pl.ds(r0, BR)]
    brow = bc_ref[0:1, pl.ds(r0, BR)]
    c0 = cb_ref[b, 0]
    nt = cb_ref[b, 1]
    bv0 = jnp.full((K, BR), FINF, jnp.float32)
    bi0 = jnp.full((K, BR), FBIG, jnp.float32)

    def tile(t, carry):
        bv, bi = carry
        c = pl.multiple_of(c0 + t * BC, 128)
        xc = x_ref[pl.ds(c, BC), :]
        m = lax.dot_general(xc, xr, (((1,), (1,)), ((), ())),
                            preferred_element_type=jnp.float32)
        d = (sqr_ref[pl.ds(c, BC), :] + sr) - 2.0 * m
        d = jnp.where(br_ref[pl.ds(c, BC), :] == brow, d, FINF)
        ci = c.astype(jnp.float32) \
            + lax.broadcasted_iota(jnp.int32, (BC, BR), 0).astype(jnp.float32)
        cv = jnp.concatenate([bv, d], axis=0)
        cif = jnp.concatenate([bi, ci], axis=0)
        nv, ni = [], []
        for s in range(K):
            mm = jnp.min(cv, axis=0, keepdims=True)
            eq = cv == mm
            sel = jnp.min(jnp.where(eq, cif, FBIG), axis=0, keepdims=True)
            nv.append(mm)
            ni.append(sel)
            if s < K - 1:
                cv = jnp.where(cif == sel, FINF, cv)
        return jnp.concatenate(nv, axis=0), jnp.concatenate(ni, axis=0)

    bv, bi = lax.fori_loop(0, nt, tile, (bv0, bi0))
    idx_ref[...] = jnp.minimum(bi, NPAD - 1).astype(jnp.int32)


def _topk(x, sqr, sqc, batchr, batchc, cb):
    return _pallas_call(
        _topk_body,
        grid=(NB,),
        in_specs=[
            pl.BlockSpec((NPADC, D), lambda b: (0, 0)),
            pl.BlockSpec((NPADC, 1), lambda b: (0, 0)),
            pl.BlockSpec((8, NPADC), lambda b: (0, 0)),
            pl.BlockSpec((NPADC, 1), lambda b: (0, 0)),
            pl.BlockSpec((8, NPADC), lambda b: (0, 0)),
            pl.BlockSpec(memory_space=pltpu.SMEM),
        ],
        out_specs=pl.BlockSpec((K, BR), lambda b: (0, b)),
        out_shape=jax.ShapeDtypeStruct((K, NPAD), jnp.int32),
    )(x, sqr, sqc, batchr, batchc, cb)



_NC, _NS = 2, 16
_NW = _NC * _NS
_NPW = NPAD // _NW
_CG = 8
_NCH = _NPW // _CG


_NBUF = 4


def _sc_body(feat_hbm, idx_hbm, out_hbm, idx_all,
             r0_, r1_, r2_, r3_, sg0, sg1, sg2, sg3,
             so0, so1, so2, so3):
    wid = lax.axis_index("s") * _NC + lax.axis_index("c")
    base = wid * _NPW
    rows = (r0_, r1_, r2_, r3_)
    sgs = (sg0, sg1, sg2, sg3)
    sos = (so0, so1, so2, so3)

    pltpu.sync_copy(idx_hbm.at[pl.ds(base * K, _NPW * K)], idx_all)

    def gath(ch, b):
        pltpu.async_copy(feat_hbm.at[idx_all.at[pl.ds(ch * _CG * K,
                                                      _CG * K)]],
                         rows[b], sgs[b])

    def put(ch, b):
        nb = base + ch * _CG
        pltpu.make_async_copy(
            feat_hbm.at[idx_all.at[pl.ds(ch * _CG * K, _CG * K)]],
            rows[b], sgs[b]).wait()
        pltpu.async_copy(rows[b], out_hbm.at[pl.ds(nb * K, _CG * K)], sos[b])

    def drain(ch, b):
        nb = base + ch * _CG
        pltpu.make_async_copy(rows[b], out_hbm.at[pl.ds(nb * K, _CG * K)],
                              sos[b]).wait()

    for b in range(_NBUF):
        gath(b, b)

    def group(p, carry):
        for b in range(_NBUF):
            put(p * _NBUF + b, b)
        for b in range(_NBUF):
            ch = p * _NBUF + b
            drain(ch, b)

            @pl.when(ch + _NBUF < _NCH)
            def _():
                gath(ch + _NBUF, b)
        return carry

    lax.fori_loop(0, _NCH // _NBUF, group, 0)


def _gather_delta(feat, idxf):
    mesh = plsc.VectorSubcoreMesh(core_axis_name="c", subcore_axis_name="s",
                                  num_cores=_NC, num_subcores=_NS)
    f = pl.kernel(
        _sc_body,
        out_type=jax.ShapeDtypeStruct((NPAD * K, D), jnp.float32),
        mesh=mesh,
        scratch_types=[
            pltpu.VMEM((_NPW * K,), jnp.int32),
            pltpu.VMEM((_CG * K, D), jnp.float32),
            pltpu.VMEM((_CG * K, D), jnp.float32),
            pltpu.VMEM((_CG * K, D), jnp.float32),
            pltpu.VMEM((_CG * K, D), jnp.float32),
            pltpu.SemaphoreType.DMA,
            pltpu.SemaphoreType.DMA,
            pltpu.SemaphoreType.DMA,
            pltpu.SemaphoreType.DMA,
            pltpu.SemaphoreType.DMA,
            pltpu.SemaphoreType.DMA,
            pltpu.SemaphoreType.DMA,
            pltpu.SemaphoreType.DMA,
        ],
    )
    return f(feat, idxf)



def _edgemm_body(d_ref, w_ref, x_ref, mx_ref, acc_ref):
    b = pl.program_id(0)
    xi = x_ref[...][:, None, :]
    m3 = jnp.concatenate(
        [jnp.broadcast_to(xi, (BR, K, D)), d_ref[...] - xi], axis=2)
    mflat = m3.reshape(BR * K, 2 * D)
    e = lax.dot_general(mflat, w_ref[...], (((1,), (0,)), ((), ())),
                        preferred_element_type=jnp.float32)
    e3 = e.reshape(BR, K, D)
    mx = jnp.max(e3, axis=1)
    s1 = jnp.sum(e3, axis=1)
    s2 = jnp.sum(e3 * e3, axis=1)
    mx_ref[...] = mx
    rid = b * BR + lax.broadcasted_iota(jnp.int32, (BR, 1), 0)
    msk = rid < N
    t1 = jnp.sum(jnp.where(msk, s1, 0.0), axis=0, keepdims=True)
    t2 = jnp.sum(jnp.where(msk, s2, 0.0), axis=0, keepdims=True)

    @pl.when(b == 0)
    def _():
        acc_ref[...] = jnp.zeros((8, 128), jnp.float32)

    acc_ref[0:1, :] += t1
    acc_ref[1:2, :] += t2


def _edgemm(delta3, wT, xfeat):
    return _pallas_call(
        _edgemm_body,
        grid=(NB,),
        in_specs=[
            pl.BlockSpec((BR, K, D), lambda b: (b, 0, 0)),
            pl.BlockSpec((2 * D, D), lambda b: (0, 0)),
            pl.BlockSpec((BR, D), lambda b: (b, 0)),
        ],
        out_specs=[
            pl.BlockSpec((BR, D), lambda b: (b, 0)),
            pl.BlockSpec((8, 128), lambda b: (0, 0)),
        ],
        out_shape=[
            jax.ShapeDtypeStruct((NPAD, D), jnp.float32),
            jax.ShapeDtypeStruct((8, 128), jnp.float32),
        ],
    )(delta3, wT, xfeat)



def _edge_body(mx_ref, acc_ref, g_ref, bt_ref, h_ref, sums_ref):
    b = pl.program_id(0)
    rid = b * BR + lax.broadcasted_iota(jnp.int32, (BR, 1), 0)
    msk = rid < N
    nk = jnp.float32(N * K)
    mu = acc_ref[0:1, :] / nk
    var = acc_ref[1:2, :] / nk - mu * mu
    inv = g_ref[0:1, :] * lax.rsqrt(var + EPS)
    hn = (mx_ref[...] - mu) * inv + bt_ref[0:1, :]
    h = jnp.where(hn > 0, hn, 0.2 * hn)
    h_ref[...] = h
    hm = jnp.where(msk, h, 0.0)

    @pl.when(b == 0)
    def _():
        sums_ref[...] = jnp.zeros((8, 128), jnp.float32)

    sums_ref[0:1, :] += jnp.sum(hm, axis=0, keepdims=True)
    sums_ref[1:2, :] += jnp.sum(hm * hm, axis=0, keepdims=True)


def _edge_stage(mx, acc, g, bt):
    return _pallas_call(
        _edge_body,
        grid=(NB,),
        in_specs=[
            pl.BlockSpec((BR, D), lambda b: (b, 0)),
            pl.BlockSpec((8, 128), lambda b: (0, 0)),
            pl.BlockSpec((8, 128), lambda b: (0, 0)),
            pl.BlockSpec((8, 128), lambda b: (0, 0)),
        ],
        out_specs=[
            pl.BlockSpec((BR, D), lambda b: (b, 0)),
            pl.BlockSpec((8, 128), lambda b: (0, 0)),
        ],
        out_shape=[
            jax.ShapeDtypeStruct((NPADC, D), jnp.float32),
            jax.ShapeDtypeStruct((8, 128), jnp.float32),
        ],
    )(mx, acc, g, bt)


def _final_body(h_ref, sums_ref, g_ref, bt_ref, x_ref, o_ref):
    mu = sums_ref[0:1, :] / N
    var = sums_ref[1:2, :] / N - mu * mu
    hn = (h_ref[...] - mu) * lax.rsqrt(var + EPS) * g_ref[0:1, :] \
        + bt_ref[0:1, :] + x_ref[...]
    o_ref[...] = jnp.maximum(hn, 0.0)


def _final(h, sums, g, bt, xp):
    return _pallas_call(
        _final_body,
        grid=(NA,),
        in_specs=[
            pl.BlockSpec((BRA, D), lambda b: (b, 0)),
            pl.BlockSpec((8, 128), lambda b: (0, 0)),
            pl.BlockSpec((8, 128), lambda b: (0, 0)),
            pl.BlockSpec((8, 128), lambda b: (0, 0)),
            pl.BlockSpec((BRA, D), lambda b: (b, 0)),
        ],
        out_specs=pl.BlockSpec((BRA, D), lambda b: (b, 0)),
        out_shape=jax.ShapeDtypeStruct((N, D), jnp.float32),
    )(h, sums, g, bt, xp)


def _rows8(a):
    return jnp.tile(a.reshape(1, -1), (8, 1))


def kernel(x, batch, W1, gn1_g, gn1_b, bn1_g, bn1_b,
           W2, gn2_g, gn2_b, bn2_g, bn2_b):
    xp = jnp.pad(x, ((0, NPADC - N), (0, 0)))
    bp = jnp.concatenate([
        batch.astype(jnp.int32),
        jnp.full((NPAD - N,), 8, jnp.int32),
        jnp.full((NPADC - NPAD,), 9, jnp.int32),
    ])
    batchr = bp[:, None]
    batchc = jnp.tile(bp[None, :], (8, 1))
    wT1, wT2 = W1.T, W2.T

    sqr1, segs = _prep1(xp, batchr)
    seg_start = segs[0, :10]
    r0 = jnp.arange(NB, dtype=jnp.int32) * BR
    blo = bp[r0]
    bhi = bp[r0 + BR - 1]
    c0 = (seg_start[blo] // 128) * 128
    nt = (seg_start[bhi + 1] - c0 + BC - 1) // BC
    cb = jnp.stack([c0, nt], axis=1).astype(jnp.int32)

    idx1 = _topk(xp, sqr1, _rows8(sqr1), batchr, batchc, cb)
    delta1 = _gather_delta(xp, idx1.T.reshape(-1)).reshape(NPAD, K, D)
    mx1, acc1 = _edgemm(delta1, wT1, xp)
    h1, sums1 = _edge_stage(mx1, acc1, _rows8(gn1_g), _rows8(gn1_b))

    x2, sqr2 = _prep2(h1, sums1, _rows8(bn1_g), _rows8(bn1_b))
    idx2 = _topk(x2, sqr2, _rows8(sqr2), batchr, batchc, cb)
    delta2 = _gather_delta(x2, idx2.T.reshape(-1)).reshape(NPAD, K, D)
    mx2, acc2 = _edgemm(delta2, wT2, x2)
    h2, sums2 = _edge_stage(mx2, acc2, _rows8(gn2_g), _rows8(gn2_b))

    return _final(h2, sums2, _rows8(bn2_g), _rows8(bn2_b), xp)

# --- scband reference (transcript-rebuilt; emitter-appended) ---
"""Pipeline reference for scband-residual-dec-block-50105088475513 (READ-ONLY COPY).

The authoritative reference and input builder live on the scoring server;
editing this copy changes nothing except your own understanding.
"""

import jax, jax.numpy as jnp
import numpy as np

K = 16
EPS = 1e-5

def setup_inputs(seed: int = 0) -> dict:
    key = jax.random.key(seed)
    ks = jax.random.split(key, 6)
    N, D = 10000, 128
    x = jax.random.normal(ks[0], (N, D), dtype=jnp.float32)
    batch = jnp.sort(jax.random.randint(ks[1], (N,), 0, 8)).astype(jnp.int32)
    W1 = jax.random.normal(ks[2], (D, 2 * D), dtype=jnp.float32) * 0.05
    W2 = jax.random.normal(ks[3], (D, 2 * D), dtype=jnp.float32) * 0.05
    ones = jnp.ones((D,), dtype=jnp.float32)
    zeros = jnp.zeros((D,), dtype=jnp.float32)
    return {
        'x': x, 'batch': batch,
        'W1': W1, 'gn1_g': ones, 'gn1_b': zeros, 'bn1_g': ones, 'bn1_b': zeros,
        'W2': W2, 'gn2_g': ones, 'gn2_b': zeros, 'bn2_g': ones, 'bn2_b': zeros,
    }

def _batchnorm(h, gamma, beta):
    mu = jnp.mean(h, axis=0)
    var = jnp.var(h, axis=0)
    return (h - mu) / jnp.sqrt(var + EPS) * gamma + beta

def _dynamic_edge_conv(x, batch, W, gamma, beta):
    # knn graph (non-differentiable index selection, like torch_cluster.knn)
    xs = jax.lax.stop_gradient(x)
    sq = jnp.sum(xs * xs, axis=1)
    dist = sq[:, None] + sq[None, :] - 2.0 * (xs @ xs.T)
    same = batch[:, None] == batch[None, :]
    dist = jnp.where(same, dist, jnp.inf)
    _, idx = jax.lax.top_k(-dist, K)  # [N, K], includes self
    x_j = x[idx]                                   # gather neighbors [N, K, D]
    x_i = jnp.broadcast_to(x[:, None, :], x_j.shape)
    m = jnp.concatenate([x_i, x_j - x_i], axis=-1)  # [N, K, 2D]
    h = m @ W.T                                     # Linear(2D->D, bias=False)
    hf = h.reshape(-1, h.shape[-1])
    hf = _batchnorm(hf, gamma, beta)                # BatchNorm1d over edges
    hf = jnp.where(hf > 0, hf, 0.2 * hf)            # LeakyReLU(0.2)
    h = hf.reshape(h.shape)
    return jnp.max(h, axis=1)                       # max aggregation

def reference(x, batch, W1, gn1_g, gn1_b, bn1_g, bn1_b, W2, gn2_g, gn2_b, bn2_g, bn2_b):
    identity = x
    h = _dynamic_edge_conv(x, batch, W1, gn1_g, gn1_b)
    h = _batchnorm(h, bn1_g, bn1_b)
    h = jnp.maximum(h, 0.0)
    h = _dynamic_edge_conv(h, batch, W2, gn2_g, gn2_b)
    h = _batchnorm(h, bn2_g, bn2_b)
    h = h + identity  # nfeat == nfeato -> no projection shortcut
    return jnp.maximum(h, 0.0)

if __name__ == "__main__":
    import jax
    _d = setup_inputs()
    print(jax.jit(kernel)(*tuple(_d.values())))

</pallas_src>

<mosaic_0001>
#map = affine_map<(d0, d1) -> (0, 0)>
#map1 = affine_map<(d0, d1) -> (0)>
module attributes {stable_mosaic.version = 14 : i64} {
  func.func @_sc_body(%arg0: i32, %arg1: i32, %arg2: memref<10752x128xf32, #tpu.memory_space<hbm>>, %arg3: memref<163840xi32, #tpu.memory_space<hbm>>, %arg4: memref<163840x128xf32, #tpu.memory_space<hbm>>, %arg5: memref<5120xi32, #tpu.memory_space<vmem>>, %arg6: memref<128x128xf32, #tpu.memory_space<vmem>>, %arg7: memref<128x128xf32, #tpu.memory_space<vmem>>, %arg8: memref<128x128xf32, #tpu.memory_space<vmem>>, %arg9: memref<128x128xf32, #tpu.memory_space<vmem>>, %arg10: memref<!tpu.dma_semaphore, #tpu.memory_space<semaphore_mem>>, %arg11: memref<!tpu.dma_semaphore, #tpu.memory_space<semaphore_mem>>, %arg12: memref<!tpu.dma_semaphore, #tpu.memory_space<semaphore_mem>>, %arg13: memref<!tpu.dma_semaphore, #tpu.memory_space<semaphore_mem>>, %arg14: memref<!tpu.dma_semaphore, #tpu.memory_space<semaphore_mem>>, %arg15: memref<!tpu.dma_semaphore, #tpu.memory_space<semaphore_mem>>, %arg16: memref<!tpu.dma_semaphore, #tpu.memory_space<semaphore_mem>>, %arg17: memref<!tpu.dma_semaphore, #tpu.memory_space<semaphore_mem>>) attributes {dimension_semantics = [#tpu.dimension_semantics<core_parallel>, #tpu.dimension_semantics<subcore_parallel>], iteration_bounds = array<i64: 2, 16>, scalar_prefetch = 0 : i64, scratch_operands = 13 : i64, tpu.core_type = #tpu.core_type<sc_vector_subcore>, window_params = [{transform_indices = #map}, {transform_indices = #map1}, {transform_indices = #map}]} {
    %mul3A = arith.constant 2 : i32
    %mul3A_0 = arith.muli %arg1, %mul3A : i32
    %add3A = arith.addi %mul3A_0, %arg0 : i32
    %mul3A_1 = arith.constant 320 : i32
    %mul3A_2 = arith.muli %add3A, %mul3A_1 : i32
    %mul3A_3 = arith.constant 16 : i32
    %mul3A_4 = arith.muli %mul3A_2, %mul3A_3 : i32
    "tpu.region"() ({
      %run_scoped3A = tpu.sem_alloc : memref<!tpu.dma_semaphore, #tpu.memory_space<semaphore_mem>>
      %dma_start3A_29 = tpu.memref_slice %arg3[%mul3A_4] : memref<163840xi32, #tpu.memory_space<hbm>> -> memref<5120xi32, #tpu.memory_space<hbm>>
      %dma_start3A_30 = tpu.memref_slice %arg3[%mul3A_4] : memref<163840xi32, #tpu.memory_space<hbm>> -> memref<5120xi32, #tpu.memory_space<hbm>>
      tpu.enqueue_dma source(%dma_start3A_30 : memref<5120xi32, #tpu.memory_space<hbm>>) target(%arg5 : memref<5120xi32, #tpu.memory_space<vmem>>) target_semaphore(%run_scoped3A : memref<!tpu.dma_semaphore, #tpu.memory_space<semaphore_mem>>)
      %dma_wait3A = tpu.memref_slice %arg3[%mul3A_4] : memref<163840xi32, #tpu.memory_space<hbm>> -> memref<5120xi32, #tpu.memory_space<hbm>>
      %dma_wait3A_31 = tpu.memref_slice %arg3[%mul3A_4] : memref<163840xi32, #tpu.memory_space<hbm>> -> memref<5120xi32, #tpu.memory_space<hbm>>
      tpu.wait_dma2 semaphore(%run_scoped3A : memref<!tpu.dma_semaphore, #tpu.memory_space<semaphore_mem>>) src(%dma_wait3A_31 : memref<5120xi32, #tpu.memory_space<hbm>>) dst(%arg5 : memref<5120xi32, #tpu.memory_space<vmem>>)
      tpu.yield
    }) : () -> ()
    %dma_start3A = arith.constant 0 : i32
    %dma_start3A_5 = tpu.memref_slice %arg5[%dma_start3A] : memref<5120xi32, #tpu.memory_space<vmem>> -> memref<128xi32, #tpu.memory_space<vmem>>
    %dma_start3A_6 = arith.constant 0 : i32
    %dma_start3A_7 = arith.constant 0 : i32
    %dma_start3A_8 = tpu.memref_slice %arg2[%dma_start3A_6, %dma_start3A_7] : memref<10752x128xf32, #tpu.memory_space<hbm>> -> memref<10752x128xf32, #tpu.memory_space<hbm>>
    tpu.enqueue_indirect_dma source(%dma_start3A_8 : memref<10752x128xf32, #tpu.memory_space<hbm>>) target(%arg6 : memref<128x128xf32, #tpu.memory_space<vmem>>) offsets(%dma_start3A_5 : memref<128xi32, #tpu.memory_space<vmem>>) semaphore(%arg10 : memref<!tpu.dma_semaphore, #tpu.memory_space<semaphore_mem>>)
    %dma_start3A_9 = arith.constant 128 : i32
    %dma_start3A_10 = tpu.memref_slice %arg5[%dma_start3A_9] : memref<5120xi32, #tpu.memory_space<vmem>> -> memref<128xi32, #tpu.memory_space<vmem>>
    %dma_start3A_11 = arith.constant 0 : i32
    %dma_start3A_12 = arith.constant 0 : i32
    %dma_start3A_13 = tpu.memref_slice %arg2[%dma_start3A_11, %dma_start3A_12] : memref<10752x128xf32, #tpu.memory_space<hbm>> -> memref<10752x128xf32, #tpu.memory_space<hbm>>
    tpu.enqueue_indirect_dma source(%dma_start3A_13 : memref<10752x128xf32, #tpu.memory_space<hbm>>) target(%arg7 : memref<128x128xf32, #tpu.memory_space<vmem>>) offsets(%dma_start3A_10 : memref<128xi32, #tpu.memory_space<vmem>>) semaphore(%arg11 : memref<!tpu.dma_semaphore, #tpu.memory_space<semaphore_mem>>)
    %dma_start3A_14 = arith.constant 256 : i32
    %dma_start3A_15 = tpu.memref_slice %arg5[%dma_start3A_14] : memref<5120xi32, #tpu.memory_space<vmem>> -> memref<128xi32, #tpu.memory_space<vmem>>
    %dma_start3A_16 = arith.constant 0 : i32
    %dma_start3A_17 = arith.constant 0 : i32
    %dma_start3A_18 = tpu.memref_slice %arg2[%dma_start3A_16, %dma_start3A_17] : memref<10752x128xf32, #tpu.memory_space<hbm>> -> memref<10752x128xf32, #tpu.memory_space<hbm>>
    tpu.enqueue_indirect_dma source(%dma_start3A_18 : memref<10752x128xf32, #tpu.memory_space<hbm>>) target(%arg8 : memref<128x128xf32, #tpu.memory_space<vmem>>) offsets(%dma_start3A_15 : memref<128xi32, #tpu.memory_space<vmem>>) semaphore(%arg12 : memref<!tpu.dma_semaphore, #tpu.memory_space<semaphore_mem>>)
    %dma_start3A_19 = arith.constant 384 : i32
    %dma_start3A_20 = tpu.memref_slice %arg5[%dma_start3A_19] : memref<5120xi32, #tpu.memory_space<vmem>> -> memref<128xi32, #tpu.memory_space<vmem>>
    %dma_start3A_21 = arith.constant 0 : i32
    %dma_start3A_22 = arith.constant 0 : i32
    %dma_start3A_23 = tpu.memref_slice %arg2[%dma_start3A_21, %dma_start3A_22] : memref<10752x128xf32, #tpu.memory_space<hbm>> -> memref<10752x128xf32, #tpu.memory_space<hbm>>
    tpu.enqueue_indirect_dma source(%dma_start3A_23 : memref<10752x128xf32, #tpu.memory_space<hbm>>) target(%arg9 : memref<128x128xf32, #tpu.memory_space<vmem>>) offsets(%dma_start3A_20 : memref<128xi32, #tpu.memory_space<vmem>>) semaphore(%arg13 : memref<!tpu.dma_semaphore, #tpu.memory_space<semaphore_mem>>)
    %scan3A = arith.constant 0 : i32
    %scan3A_24 = arith.constant 0 : i32
    %scan3A_25 = arith.constant 10 : i32
    %scan3A_26 = arith.addi %scan3A_24, %scan3A_25 : i32
    %scan3A_27 = arith.constant 1 : i32
    scf.for %scan3A_29 = %scan3A_24 to %scan3A_26 step %scan3A_27  : i32 {
      %mul3A_30 = arith.constant 4 : i32
      %mul3A_31 = arith.muli %scan3A_29, %mul3A_30 : i32
      %add3A_32 = arith.constant 0 : i32
      %add3A_33 = arith.addi %mul3A_31, %add3A_32 : i32
      %mul3A_34 = arith.constant 8 : i32
      %mul3A_35 = arith.muli %add3A_33, %mul3A_34 : i32
      %add3A_36 = arith.addi %mul3A_2, %mul3A_35 : i32
      %mul3A_37 = arith.constant 8 : i32
      %mul3A_38 = arith.muli %add3A_33, %mul3A_37 : i32
      %mul3A_39 = arith.constant 16 : i32
      %mul3A_40 = arith.muli %mul3A_38, %mul3A_39 : i32
      %dma_wait3A = tpu.memref_slice %arg5[%mul3A_40] : memref<5120xi32, #tpu.memory_space<vmem>> -> memref<128xi32, #tpu.memory_space<vmem>>
      %dma_wait3A_41 = arith.constant 0 : i32
      %dma_wait3A_42 = arith.constant 0 : i32
      %dma_wait3A_43 = tpu.memref_slice %arg2[%dma_wait3A_41, %dma_wait3A_42] : memref<10752x128xf32, #tpu.memory_space<hbm>> -> memref<10752x128xf32, #tpu.memory_space<hbm>>
      tpu.wait_indirect_dma semaphore(%arg10 : memref<!tpu.dma_semaphore, #tpu.memory_space<semaphore_mem>>) src(%dma_wait3A_43 : memref<10752x128xf32, #tpu.memory_space<hbm>>) dst(%arg6 : memref<128x128xf32, #tpu.memory_space<vmem>>)
      %mul3A_44 = arith.constant 16 : i32
      %mul3A_45 = arith.muli %add3A_36, %mul3A_44 : i32
      %dma_start3A_46 = arith.constant 0 : i32
      %dma_start3A_47 = tpu.memref_slice %arg4[%mul3A_45, %dma_start3A_46] : memref<163840x128xf32, #tpu.memory_space<hbm>> -> memref<128x128xf32, #tpu.memory_space<hbm>>
      %dma_start3A_48 = arith.constant 0 : i32
      %dma_start3A_49 = tpu.memref_slice %arg4[%mul3A_45, %dma_start3A_48] : memref<163840x128xf32, #tpu.memory_space<hbm>> -> memref<128x128xf32, #tpu.memory_space<hbm>>
      tpu.enqueue_dma source(%arg6 : memref<128x128xf32, #tpu.memory_space<vmem>>) target(%dma_start3A_49 : memref<128x128xf32, #tpu.memory_space<hbm>>) target_semaphore(%arg14 : memref<!tpu.dma_semaphore, #tpu.memory_space<semaphore_mem>>)
      %mul3A_50 = arith.constant 4 : i32
      %mul3A_51 = arith.muli %scan3A_29, %mul3A_50 : i32
      %add3A_52 = arith.constant 1 : i32
      %add3A_53 = arith.addi %mul3A_51, %add3A_52 : i32
      %mul3A_54 = arith.constant 8 : i32
      %mul3A_55 = arith.muli %add3A_53, %mul3A_54 : i32
      %add3A_56 = arith.addi %mul3A_2, %mul3A_55 : i32
      %mul3A_57 = arith.constant 8 : i32
      %mul3A_58 = arith.muli %add3A_53, %mul3A_57 : i32
      %mul3A_59 = arith.constant 16 : i32
      %mul3A_60 = arith.muli %mul3A_58, %mul3A_59 : i32
      %dma_wait3A_61 = tpu.memref_slice %arg5[%mul3A_60] : memref<5120xi32, #tpu.memory_space<vmem>> -> memref<128xi32, #tpu.memory_space<vmem>>
      %dma_wait3A_62 = arith.constant 0 : i32
      %dma_wait3A_63 = arith.constant 0 : i32
      %dma_wait3A_64 = tpu.memref_slice %arg2[%dma_wait3A_62, %dma_wait3A_63] : memref<10752x128xf32, #tpu.memory_space<hbm>> -> memref<10752x128xf32, #tpu.memory_space<hbm>>
      tpu.wait_indirect_dma semaphore(%arg11 : memref<!tpu.dma_semaphore, #tpu.memory_space<semaphore_mem>>) src(%dma_wait3A_64 : memref<10752x128xf32, #tpu.memory_space<hbm>>) dst(%arg7 : memref<128x128xf32, #tpu.memory_space<vmem>>)
      %mul3A_65 = arith.constant 16 : i32
      %mul3A_66 = arith.muli %add3A_56, %mul3A_65 : i32
      %dma_start3A_67 = arith.constant 0 : i32
      %dma_start3A_68 = tpu.memref_slice %arg4[%mul3A_66, %dma_start3A_67] : memref<163840x128xf32, #tpu.memory_space<hbm>> -> memref<128x128xf32, #tpu.memory_space<hbm>>
      %dma_start3A_69 = arith.constant 0 : i32
      %dma_start3A_70 = tpu.memref_slice %arg4[%mul3A_66, %dma_start3A_69] : memref<163840x128xf32, #tpu.memory_space<hbm>> -> memref<128x128xf32, #tpu.memory_space<hbm>>
      tpu.enqueue_dma source(%arg7 : memref<128x128xf32, #tpu.memory_space<vmem>>) target(%dma_start3A_70 : memref<128x128xf32, #tpu.memory_space<hbm>>) target_semaphore(%arg15 : memref<!tpu.dma_semaphore, #tpu.memory_space<semaphore_mem>>)
      %mul3A_71 = arith.constant 4 : i32
      %mul3A_72 = arith.muli %scan3A_29, %mul3A_71 : i32
      %add3A_73 = arith.constant 2 : i32
      %add3A_74 = arith.addi %mul3A_72, %add3A_73 : i32
      %mul3A_75 = arith.constant 8 : i32
      %mul3A_76 = arith.muli %add3A_74, %mul3A_75 : i32
      %add3A_77 = arith.addi %mul3A_2, %mul3A_76 : i32
      %mul3A_78 = arith.constant 8 : i32
      %mul3A_79 = arith.muli %add3A_74, %mul3A_78 : i32
      %mul3A_80 = arith.constant 16 : i32
      %mul3A_81 = arith.muli %mul3A_79, %mul3A_80 : i32
      %dma_wait3A_82 = tpu.memref_slice %arg5[%mul3A_81] : memref<5120xi32, #tpu.memory_space<vmem>> -> memref<128xi32, #tpu.memory_space<vmem>>
      %dma_wait3A_83 = arith.constant 0 : i32
      %dma_wait3A_84 = arith.constant 0 : i32
      %dma_wait3A_85 = tpu.memref_slice %arg2[%dma_wait3A_83, %dma_wait3A_84] : memref<10752x128xf32, #tpu.memory_space<hbm>> -> memref<10752x128xf32, #tpu.memory_space<hbm>>
      tpu.wait_indirect_dma semaphore(%arg12 : memref<!tpu.dma_semaphore, #tpu.memory_space<semaphore_mem>>) src(%dma_wait3A_85 : memref<10752x128xf32, #tpu.memory_space<hbm>>) dst(%arg8 : memref<128x128xf32, #tpu.memory_space<vmem>>)
      %mul3A_86 = arith.constant 16 : i32
      %mul3A_87 = arith.muli %add3A_77, %mul3A_86 : i32
      %dma_start3A_88 = arith.constant 0 : i32
      %dma_start3A_89 = tpu.memref_slice %arg4[%mul3A_87, %dma_start3A_88] : memref<163840x128xf32, #tpu.memory_space<hbm>> -> memref<128x128xf32, #tpu.memory_space<hbm>>
      %dma_start3A_90 = arith.constant 0 : i32
      %dma_start3A_91 = tpu.memref_slice %arg4[%mul3A_87, %dma_start3A_90] : memref<163840x128xf32, #tpu.memory_space<hbm>> -> memref<128x128xf32, #tpu.memory_space<hbm>>
      tpu.enqueue_dma source(%arg8 : memref<128x128xf32, #tpu.memory_space<vmem>>) target(%dma_start3A_91 : memref<128x128xf32, #tpu.memory_space<hbm>>) target_semaphore(%arg16 : memref<!tpu.dma_semaphore, #tpu.memory_space<semaphore_mem>>)
      %mul3A_92 = arith.constant 4 : i32
      %mul3A_93 = arith.muli %scan3A_29, %mul3A_92 : i32
      %add3A_94 = arith.constant 3 : i32
      %add3A_95 = arith.addi %mul3A_93, %add3A_94 : i32
      %mul3A_96 = arith.constant 8 : i32
      %mul3A_97 = arith.muli %add3A_95, %mul3A_96 : i32
      %add3A_98 = arith.addi %mul3A_2, %mul3A_97 : i32
      %mul3A_99 = arith.constant 8 : i32
      %mul3A_100 = arith.muli %add3A_95, %mul3A_99 : i32
      %mul3A_101 = arith.constant 16 : i32
      %mul3A_102 = arith.muli %mul3A_100, %mul3A_101 : i32
      %dma_wait3A_103 = tpu.memref_slice %arg5[%mul3A_102] : memref<5120xi32, #tpu.memory_space<vmem>> -> memref<128xi32, #tpu.memory_space<vmem>>
      %dma_wait3A_104 = arith.constant 0 : i32
      %dma_wait3A_105 = arith.constant 0 : i32
      %dma_wait3A_106 = tpu.memref_slice %arg2[%dma_wait3A_104, %dma_wait3A_105] : memref<10752x128xf32, #tpu.memory_space<hbm>> -> memref<10752x128xf32, #tpu.memory_space<hbm>>
      tpu.wait_indirect_dma semaphore(%arg13 : memref<!tpu.dma_semaphore, #tpu.memory_space<semaphore_mem>>) src(%dma_wait3A_106 : memref<10752x128xf32, #tpu.memory_space<hbm>>) dst(%arg9 : memref<128x128xf32, #tpu.memory_space<vmem>>)
      %mul3A_107 = arith.constant 16 : i32
      %mul3A_108 = arith.muli %add3A_98, %mul3A_107 : i32
      %dma_start3A_109 = arith.constant 0 : i32
      %dma_start3A_110 = tpu.memref_slice %arg4[%mul3A_108, %dma_start3A_109] : memref<163840x128xf32, #tpu.memory_space<hbm>> -> memref<128x128xf32, #tpu.memory_space<hbm>>
      %dma_start3A_111 = arith.constant 0 : i32
      %dma_start3A_112 = tpu.memref_slice %arg4[%mul3A_108, %dma_start3A_111] : memref<163840x128xf32, #tpu.memory_space<hbm>> -> memref<128x128xf32, #tpu.memory_space<hbm>>
      tpu.enqueue_dma source(%arg9 : memref<128x128xf32, #tpu.memory_space<vmem>>) target(%dma_start3A_112 : memref<128x128xf32, #tpu.memory_space<hbm>>) target_semaphore(%arg17 : memref<!tpu.dma_semaphore, #tpu.memory_space<semaphore_mem>>)
      %mul3A_113 = arith.constant 4 : i32
      %mul3A_114 = arith.muli %scan3A_29, %mul3A_113 : i32
      %add3A_115 = arith.constant 0 : i32
      %add3A_116 = arith.addi %mul3A_114, %add3A_115 : i32
      %mul3A_117 = arith.constant 8 : i32
      %mul3A_118 = arith.muli %add3A_116, %mul3A_117 : i32
      %add3A_119 = arith.addi %mul3A_2, %mul3A_118 : i32
      %mul3A_120 = arith.constant 16 : i32
      %mul3A_121 = arith.muli %add3A_119, %mul3A_120 : i32
      %dma_wait3A_122 = arith.constant 0 : i32
      %dma_wait3A_123 = tpu.memref_slice %arg4[%mul3A_121, %dma_wait3A_122] : memref<163840x128xf32, #tpu.memory_space<hbm>> -> memref<128x128xf32, #tpu.memory_space<hbm>>
      %dma_wait3A_124 = arith.constant 0 : i32
      %dma_wait3A_125 = tpu.memref_slice %arg4[%mul3A_121, %dma_wait3A_124] : memref<163840x128xf32, #tpu.memory_space<hbm>> -> memref<128x128xf32, #tpu.memory_space<hbm>>
      tpu.wait_dma2 semaphore(%arg14 : memref<!tpu.dma_semaphore, #tpu.memory_space<semaphore_mem>>) src(%arg6 : memref<128x128xf32, #tpu.memory_space<vmem>>) dst(%dma_wait3A_125 : memref<128x128xf32, #tpu.memory_space<hbm>>)
      %add3A_126 = arith.constant 4 : i32
      %add3A_127 = arith.addi %add3A_116, %add3A_126 : i32
      %lt3A = arith.constant 40 : i32
      %lt3A_128 = arith.cmpi slt, %add3A_127, %lt3A : i32
      %convert_element_type3A = arith.extui %lt3A_128 : i1 to i32
      %cond3A = arith.constant 0 : i32
      %cond3A_129 = arith.cmpi ne, %convert_element_type3A, %cond3A : i32
      scf.if %cond3A_129 {
        %add3A_190 = arith.constant 4 : i32
        %add3A_191 = arith.addi %add3A_116, %add3A_190 : i32
        %mul3A_192 = arith.constant 8 : i32
        %mul3A_193 = arith.muli %add3A_191, %mul3A_192 : i32
        %mul3A_194 = arith.constant 16 : i32
        %mul3A_195 = arith.muli %mul3A_193, %mul3A_194 : i32
        %dma_start3A_196 = tpu.memref_slice %arg5[%mul3A_195] : memref<5120xi32, #tpu.memory_space<vmem>> -> memref<128xi32, #tpu.memory_space<vmem>>
        %dma_start3A_197 = arith.constant 0 : i32
        %dma_start3A_198 = arith.constant 0 : i32
        %dma_start3A_199 = tpu.memref_slice %arg2[%dma_start3A_197, %dma_start3A_198] : memref<10752x128xf32, #tpu.memory_space<hbm>> -> memref<10752x128xf32, #tpu.memory_space<hbm>>
        tpu.enqueue_indirect_dma source(%dma_start3A_199 : memref<10752x128xf32, #tpu.memory_space<hbm>>) target(%arg6 : memref<128x128xf32, #tpu.memory_space<vmem>>) offsets(%dma_start3A_196 : memref<128xi32, #tpu.memory_space<vmem>>) semaphore(%arg10 : memref<!tpu.dma_semaphore, #tpu.memory_space<semaphore_mem>>)
      } else {
      }
      %mul3A_130 = arith.constant 4 : i32
      %mul3A_131 = arith.muli %scan3A_29, %mul3A_130 : i32
      %add3A_132 = arith.constant 1 : i32
      %add3A_133 = arith.addi %mul3A_131, %add3A_132 : i32
      %mul3A_134 = arith.constant 8 : i32
      %mul3A_135 = arith.muli %add3A_133, %mul3A_134 : i32
      %add3A_136 = arith.addi %mul3A_2, %mul3A_135 : i32
      %mul3A_137 = arith.constant 16 : i32
      %mul3A_138 = arith.muli %add3A_136, %mul3A_137 : i32
      %dma_wait3A_139 = arith.constant 0 : i32
      %dma_wait3A_140 = tpu.memref_slice %arg4[%mul3A_138, %dma_wait3A_139] : memref<163840x128xf32, #tpu.memory_space<hbm>> -> memref<128x128xf32, #tpu.memory_space<hbm>>
      %dma_wait3A_141 = arith.constant 0 : i32
      %dma_wait3A_142 = tpu.memref_slice %arg4[%mul3A_138, %dma_wait3A_141] : memref<163840x128xf32, #tpu.memory_space<hbm>> -> memref<128x128xf32, #tpu.memory_space<hbm>>
      tpu.wait_dma2 semaphore(%arg15 : memref<!tpu.dma_semaphore, #tpu.memory_space<semaphore_mem>>) src(%arg7 : memref<128x128xf32, #tpu.memory_space<vmem>>) dst(%dma_wait3A_142 : memref<128x128xf32, #tpu.memory_space<hbm>>)
      %add3A_143 = arith.constant 4 : i32
      %add3A_144 = arith.addi %add3A_133, %add3A_143 : i32
      %lt3A_145 = arith.constant 40 : i32
      %lt3A_146 = arith.cmpi slt, %add3A_144, %lt3A_145 : i32
      %convert_element_type3A_147 = arith.extui %lt3A_146 : i1 to i32
      %cond3A_148 = arith.constant 0 : i32
      %cond3A_149 = arith.cmpi ne, %convert_element_type3A_147, %cond3A_148 : i32
      scf.if %cond3A_149 {
        %add3A_190 = arith.constant 4 : i32
        %add3A_191 = arith.addi %add3A_133, %add3A_190 : i32
        %mul3A_192 = arith.constant 8 : i32
        %mul3A_193 = arith.muli %add3A_191, %mul3A_192 : i32
        %mul3A_194 = arith.constant 16 : i32
        %mul3A_195 = arith.muli %mul3A_193, %mul3A_194 : i32
        %dma_start3A_196 = tpu.memref_slice %arg5[%mul3A_195] : memref<5120xi32, #tpu.memory_space<vmem>> -> memref<128xi32, #tpu.memory_space<vmem>>
        %dma_start3A_197 = arith.constant 0 : i32
        %dma_start3A_198 = arith.constant 0 : i32
        %dma_start3A_199 = tpu.memref_slice %arg2[%dma_start3A_197, %dma_start3A_198] : memref<10752x128xf32, #tpu.memory_space<hbm>> -> memref<10752x128xf32, #tpu.memory_space<hbm>>
        tpu.enqueue_indirect_dma source(%dma_start3A_199 : memref<10752x128xf32, #tpu.memory_space<hbm>>) target(%arg7 : memref<128x128xf32, #tpu.memory_space<vmem>>) offsets(%dma_start3A_196 : memref<128xi32, #tpu.memory_space<vmem>>) semaphore(%arg11 : memref<!tpu.dma_semaphore, #tpu.memory_space<semaphore_mem>>)
      } else {
      }
      %mul3A_150 = arith.constant 4 : i32
      %mul3A_151 = arith.muli %scan3A_29, %mul3A_150 : i32
      %add3A_152 = arith.constant 2 : i32
      %add3A_153 = arith.addi %mul3A_151, %add3A_152 : i32
      %mul3A_154 = arith.constant 8 : i32
      %mul3A_155 = arith.muli %add3A_153, %mul3A_154 : i32
      %add3A_156 = arith.addi %mul3A_2, %mul3A_155 : i32
      %mul3A_157 = arith.constant 16 : i32
      %mul3A_158 = arith.muli %add3A_156, %mul3A_157 : i32
      %dma_wait3A_159 = arith.constant 0 : i32
      %dma_wait3A_160 = tpu.memref_slice %arg4[%mul3A_158, %dma_wait3A_159] : memref<163840x128xf32, #tpu.memory_space<hbm>> -> memref<128x128xf32, #tpu.memory_space<hbm>>
      %dma_wait3A_161 = arith.constant 0 : i32
      %dma_wait3A_162 = tpu.memref_slice %arg4[%mul3A_158, %dma_wait3A_161] : memref<163840x128xf32, #tpu.memory_space<hbm>> -> memref<128x128xf32, #tpu.memory_space<hbm>>
      tpu.wait_dma2 semaphore(%arg16 : memref<!tpu.dma_semaphore, #tpu.memory_space<semaphore_mem>>) src(%arg8 : memref<128x128xf32, #tpu.memory_space<vmem>>) dst(%dma_wait3A_162 : memref<128x128xf32, #tpu.memory_space<hbm>>)
      %add3A_163 = arith.constant 4 : i32
      %add3A_164 = arith.addi %add3A_153, %add3A_163 : i32
      %lt3A_165 = arith.constant 40 : i32
      %lt3A_166 = arith.cmpi slt, %add3A_164, %lt3A_165 : i32
      %convert_element_type3A_167 = arith.extui %lt3A_166 : i1 to i32
      %cond3A_168 = arith.constant 0 : i32
      %cond3A_169 = arith.cmpi ne, %convert_element_type3A_167, %cond3A_168 : i32
      scf.if %cond3A_169 {
        %add3A_190 = arith.constant 4 : i32
        %add3A_191 = arith.addi %add3A_153, %add3A_190 : i32
        %mul3A_192 = arith.constant 8 : i32
        %mul3A_193 = arith.muli %add3A_191, %mul3A_192 : i32
        %mul3A_194 = arith.constant 16 : i32
        %mul3A_195 = arith.muli %mul3A_193, %mul3A_194 : i32
        %dma_start3A_196 = tpu.memref_slice %arg5[%mul3A_195] : memref<5120xi32, #tpu.memory_space<vmem>> -> memref<128xi32, #tpu.memory_space<vmem>>
        %dma_start3A_197 = arith.constant 0 : i32
        %dma_start3A_198 = arith.constant 0 : i32
        %dma_start3A_199 = tpu.memref_slice %arg2[%dma_start3A_197, %dma_start3A_198] : memref<10752x128xf32, #tpu.memory_space<hbm>> -> memref<10752x128xf32, #tpu.memory_space<hbm>>
        tpu.enqueue_indirect_dma source(%dma_start3A_199 : memref<10752x128xf32, #tpu.memory_space<hbm>>) target(%arg8 : memref<128x128xf32, #tpu.memory_space<vmem>>) offsets(%dma_start3A_196 : memref<128xi32, #tpu.memory_space<vmem>>) semaphore(%arg12 : memref<!tpu.dma_semaphore, #tpu.memory_space<semaphore_mem>>)
      } else {
      }
      %mul3A_170 = arith.constant 4 : i32
      %mul3A_171 = arith.muli %scan3A_29, %mul3A_170 : i32
      %add3A_172 = arith.constant 3 : i32
      %add3A_173 = arith.addi %mul3A_171, %add3A_172 : i32
      %mul3A_174 = arith.constant 8 : i32
      %mul3A_175 = arith.muli %add3A_173, %mul3A_174 : i32
      %add3A_176 = arith.addi %mul3A_2, %mul3A_175 : i32
      %mul3A_177 = arith.constant 16 : i32
      %mul3A_178 = arith.muli %add3A_176, %mul3A_177 : i32
      %dma_wait3A_179 = arith.constant 0 : i32
      %dma_wait3A_180 = tpu.memref_slice %arg4[%mul3A_178, %dma_wait3A_179] : memref<163840x128xf32, #tpu.memory_space<hbm>> -> memref<128x128xf32, #tpu.memory_space<hbm>>
      %dma_wait3A_181 = arith.constant 0 : i32
      %dma_wait3A_182 = tpu.memref_slice %arg4[%mul3A_178, %dma_wait3A_181] : memref<163840x128xf32, #tpu.memory_space<hbm>> -> memref<128x128xf32, #tpu.memory_space<hbm>>
      tpu.wait_dma2 semaphore(%arg17 : memref<!tpu.dma_semaphore, #tpu.memory_space<semaphore_mem>>) src(%arg9 : memref<128x128xf32, #tpu.memory_space<vmem>>) dst(%dma_wait3A_182 : memref<128x128xf32, #tpu.memory_space<hbm>>)
      %add3A_183 = arith.constant 4 : i32
      %add3A_184 = arith.addi %add3A_173, %add3A_183 : i32
      %lt3A_185 = arith.constant 40 : i32
      %lt3A_186 = arith.cmpi slt, %add3A_184, %lt3A_185 : i32
      %convert_element_type3A_187 = arith.extui %lt3A_186 : i1 to i32
      %cond3A_188 = arith.constant 0 : i32
      %cond3A_189 = arith.cmpi ne, %convert_element_type3A_187, %cond3A_188 : i32
      scf.if %cond3A_189 {
        %add3A_190 = arith.constant 4 : i32
        %add3A_191 = arith.addi %add3A_173, %add3A_190 : i32
        %mul3A_192 = arith.constant 8 : i32
        %mul3A_193 = arith.muli %add3A_191, %mul3A_192 : i32
        %mul3A_194 = arith.constant 16 : i32
        %mul3A_195 = arith.muli %mul3A_193, %mul3A_194 : i32
        %dma_start3A_196 = tpu.memref_slice %arg5[%mul3A_195] : memref<5120xi32, #tpu.memory_space<vmem>> -> memref<128xi32, #tpu.memory_space<vmem>>
        %dma_start3A_197 = arith.constant 0 : i32
        %dma_start3A_198 = arith.constant 0 : i32
        %dma_start3A_199 = tpu.memref_slice %arg2[%dma_start3A_197, %dma_start3A_198] : memref<10752x128xf32, #tpu.memory_space<hbm>> -> memref<10752x128xf32, #tpu.memory_space<hbm>>
        tpu.enqueue_indirect_dma source(%dma_start3A_199 : memref<10752x128xf32, #tpu.memory_space<hbm>>) target(%arg9 : memref<128x128xf32, #tpu.memory_space<vmem>>) offsets(%dma_start3A_196 : memref<128xi32, #tpu.memory_space<vmem>>) semaphore(%arg13 : memref<!tpu.dma_semaphore, #tpu.memory_space<semaphore_mem>>)
      } else {
      }
    }
    %scan3A_28 = arith.constant 10 : i32
    return
  }
}

#map = affine_map<(d0, d1) -> (0, 0)>
#map1 = affine_map<(d0, d1) -> (0)>
module attributes {stable_mosaic.version = 14 : i64} {
  func.func @_sc_body(%arg0: i32, %arg1: i32, %arg2: memref<10752x128xf32, #tpu.memory_space<hbm>>, %arg3: memref<163840xi32, #tpu.memory_space<hbm>>, %arg4: memref<163840x128xf32, #tpu.memory_space<hbm>>, %arg5: memref<5120xi32, #tpu.memory_space<vmem>>, %arg6: memref<128x128xf32, #tpu.memory_space<vmem>>, %arg7: memref<128x128xf32, #tpu.memory_space<vmem>>, %arg8: memref<128x128xf32, #tpu.memory_space<vmem>>, %arg9: memref<128x128xf32, #tpu.memory_space<vmem>>, %arg10: memref<!tpu.dma_semaphore, #tpu.memory_space<semaphore_mem>>, %arg11: memref<!tpu.dma_semaphore, #tpu.memory_space<semaphore_mem>>, %arg12: memref<!tpu.dma_semaphore, #tpu.memory_space<semaphore_mem>>, %arg13: memref<!tpu.dma_semaphore, #tpu.memory_space<semaphore_mem>>, %arg14: memref<!tpu.dma_semaphore, #tpu.memory_space<semaphore_mem>>, %arg15: memref<!tpu.dma_semaphore, #tpu.memory_space<semaphore_mem>>, %arg16: memref<!tpu.dma_semaphore, #tpu.memory_space<semaphore_mem>>, %arg17: memref<!tpu.dma_semaphore, #tpu.memory_space<semaphore_mem>>) attributes {dimension_semantics = [#tpu.dimension_semantics<core_parallel>, #tpu.dimension_semantics<subcore_parallel>], iteration_bounds = array<i64: 2, 16>, scalar_prefetch = 0 : i64, scratch_operands = 13 : i64, tpu.core_type = #tpu.core_type<sc_vector_subcore>, window_params = [{transform_indices = #map}, {transform_indices = #map1}, {transform_indices = #map}]} {
    %mul3A = arith.constant 2 : i32
    %mul3A_0 = arith.muli %arg1, %mul3A : i32
    %add3A = arith.addi %mul3A_0, %arg0 : i32
    %mul3A_1 = arith.constant 320 : i32
    %mul3A_2 = arith.muli %add3A, %mul3A_1 : i32
    %mul3A_3 = arith.constant 16 : i32
    %mul3A_4 = arith.muli %mul3A_2, %mul3A_3 : i32
    "tpu.region"() ({
      %run_scoped3A = tpu.sem_alloc : memref<!tpu.dma_semaphore, #tpu.memory_space<semaphore_mem>>
      %dma_start3A_29 = tpu.memref_slice %arg3[%mul3A_4] : memref<163840xi32, #tpu.memory_space<hbm>> -> memref<5120xi32, #tpu.memory_space<hbm>>
      %dma_start3A_30 = tpu.memref_slice %arg3[%mul3A_4] : memref<163840xi32, #tpu.memory_space<hbm>> -> memref<5120xi32, #tpu.memory_space<hbm>>
      tpu.enqueue_dma source(%dma_start3A_30 : memref<5120xi32, #tpu.memory_space<hbm>>) target(%arg5 : memref<5120xi32, #tpu.memory_space<vmem>>) target_semaphore(%run_scoped3A : memref<!tpu.dma_semaphore, #tpu.memory_space<semaphore_mem>>)
      %dma_wait3A = tpu.memref_slice %arg3[%mul3A_4] : memref<163840xi32, #tpu.memory_space<hbm>> -> memref<5120xi32, #tpu.memory_space<hbm>>
      %dma_wait3A_31 = tpu.memref_slice %arg3[%mul3A_4] : memref<163840xi32, #tpu.memory_space<hbm>> -> memref<5120xi32, #tpu.memory_space<hbm>>
      tpu.wait_dma2 semaphore(%run_scoped3A : memref<!tpu.dma_semaphore, #tpu.memory_space<semaphore_mem>>) src(%dma_wait3A_31 : memref<5120xi32, #tpu.memory_space<hbm>>) dst(%arg5 : memref<5120xi32, #tpu.memory_space<vmem>>)
      tpu.yield
    }) : () -> ()
    %dma_start3A = arith.constant 0 : i32
    %dma_start3A_5 = tpu.memref_slice %arg5[%dma_start3A] : memref<5120xi32, #tpu.memory_space<vmem>> -> memref<128xi32, #tpu.memory_space<vmem>>
    %dma_start3A_6 = arith.constant 0 : i32
    %dma_start3A_7 = arith.constant 0 : i32
    %dma_start3A_8 = tpu.memref_slice %arg2[%dma_start3A_6, %dma_start3A_7] : memref<10752x128xf32, #tpu.memory_space<hbm>> -> memref<10752x128xf32, #tpu.memory_space<hbm>>
    tpu.enqueue_indirect_dma source(%dma_start3A_8 : memref<10752x128xf32, #tpu.memory_space<hbm>>) target(%arg6 : memref<128x128xf32, #tpu.memory_space<vmem>>) offsets(%dma_start3A_5 : memref<128xi32, #tpu.memory_space<vmem>>) semaphore(%arg10 : memref<!tpu.dma_semaphore, #tpu.memory_space<semaphore_mem>>)
    %dma_start3A_9 = arith.constant 128 : i32
    %dma_start3A_10 = tpu.memref_slice %arg5[%dma_start3A_9] : memref<5120xi32, #tpu.memory_space<vmem>> -> memref<128xi32, #tpu.memory_space<vmem>>
    %dma_start3A_11 = arith.constant 0 : i32
    %dma_start3A_12 = arith.constant 0 : i32
    %dma_start3A_13 = tpu.memref_slice %arg2[%dma_start3A_11, %dma_start3A_12] : memref<10752x128xf32, #tpu.memory_space<hbm>> -> memref<10752x128xf32, #tpu.memory_space<hbm>>
    tpu.enqueue_indirect_dma source(%dma_start3A_13 : memref<10752x128xf32, #tpu.memory_space<hbm>>) target(%arg7 : memref<128x128xf32, #tpu.memory_space<vmem>>) offsets(%dma_start3A_10 : memref<128xi32, #tpu.memory_space<vmem>>) semaphore(%arg11 : memref<!tpu.dma_semaphore, #tpu.memory_space<semaphore_mem>>)
    %dma_start3A_14 = arith.constant 256 : i32
    %dma_start3A_15 = tpu.memref_slice %arg5[%dma_start3A_14] : memref<5120xi32, #tpu.memory_space<vmem>> -> memref<128xi32, #tpu.memory_space<vmem>>
    %dma_start3A_16 = arith.constant 0 : i32
    %dma_start3A_17 = arith.constant 0 : i32
    %dma_start3A_18 = tpu.memref_slice %arg2[%dma_start3A_16, %dma_start3A_17] : memref<10752x128xf32, #tpu.memory_space<hbm>> -> memref<10752x128xf32, #tpu.memory_space<hbm>>
    tpu.enqueue_indirect_dma source(%dma_start3A_18 : memref<10752x128xf32, #tpu.memory_space<hbm>>) target(%arg8 : memref<128x128xf32, #tpu.memory_space<vmem>>) offsets(%dma_start3A_15 : memref<128xi32, #tpu.memory_space<vmem>>) semaphore(%arg12 : memref<!tpu.dma_semaphore, #tpu.memory_space<semaphore_mem>>)
    %dma_start3A_19 = arith.constant 384 : i32
    %dma_start3A_20 = tpu.memref_slice %arg5[%dma_start3A_19] : memref<5120xi32, #tpu.memory_space<vmem>> -> memref<128xi32, #tpu.memory_space<vmem>>
    %dma_start3A_21 = arith.constant 0 : i32
    %dma_start3A_22 = arith.constant 0 : i32
    %dma_start3A_23 = tpu.memref_slice %arg2[%dma_start3A_21, %dma_start3A_22] : memref<10752x128xf32, #tpu.memory_space<hbm>> -> memref<10752x128xf32, #tpu.memory_space<hbm>>
    tpu.enqueue_indirect_dma source(%dma_start3A_23 : memref<10752x128xf32, #tpu.memory_space<hbm>>) target(%arg9 : memref<128x128xf32, #tpu.memory_space<vmem>>) offsets(%dma_start3A_20 : memref<128xi32, #tpu.memory_space<vmem>>) semaphore(%arg13 : memref<!tpu.dma_semaphore, #tpu.memory_space<semaphore_mem>>)
    %scan3A = arith.constant 0 : i32
    %scan3A_24 = arith.constant 0 : i32
    %scan3A_25 = arith.constant 10 : i32
    %scan3A_26 = arith.addi %scan3A_24, %scan3A_25 : i32
    %scan3A_27 = arith.constant 1 : i32
    scf.for %scan3A_29 = %scan3A_24 to %scan3A_26 step %scan3A_27  : i32 {
      %mul3A_30 = arith.constant 4 : i32
      %mul3A_31 = arith.muli %scan3A_29, %mul3A_30 : i32
      %add3A_32 = arith.constant 0 : i32
      %add3A_33 = arith.addi %mul3A_31, %add3A_32 : i32
      %mul3A_34 = arith.constant 8 : i32
      %mul3A_35 = arith.muli %add3A_33, %mul3A_34 : i32
      %add3A_36 = arith.addi %mul3A_2, %mul3A_35 : i32
      %mul3A_37 = arith.constant 8 : i32
      %mul3A_38 = arith.muli %add3A_33, %mul3A_37 : i32
      %mul3A_39 = arith.constant 16 : i32
      %mul3A_40 = arith.muli %mul3A_38, %mul3A_39 : i32
      %dma_wait3A = tpu.memref_slice %arg5[%mul3A_40] : memref<5120xi32, #tpu.memory_space<vmem>> -> memref<128xi32, #tpu.memory_space<vmem>>
      %dma_wait3A_41 = arith.constant 0 : i32
      %dma_wait3A_42 = arith.constant 0 : i32
      %dma_wait3A_43 = tpu.memref_slice %arg2[%dma_wait3A_41, %dma_wait3A_42] : memref<10752x128xf32, #tpu.memory_space<hbm>> -> memref<10752x128xf32, #tpu.memory_space<hbm>>
      tpu.wait_indirect_dma semaphore(%arg10 : memref<!tpu.dma_semaphore, #tpu.memory_space<semaphore_mem>>) src(%dma_wait3A_43 : memref<10752x128xf32, #tpu.memory_space<hbm>>) dst(%arg6 : memref<128x128xf32, #tpu.memory_space<vmem>>)
      %mul3A_44 = arith.constant 16 : i32
      %mul3A_45 = arith.muli %add3A_36, %mul3A_44 : i32
      %dma_start3A_46 = arith.constant 0 : i32
      %dma_start3A_47 = tpu.memref_slice %arg4[%mul3A_45, %dma_start3A_46] : memref<163840x128xf32, #tpu.memory_space<hbm>> -> memref<128x128xf32, #tpu.memory_space<hbm>>
      %dma_start3A_48 = arith.constant 0 : i32
      %dma_start3A_49 = tpu.memref_slice %arg4[%mul3A_45, %dma_start3A_48] : memref<163840x128xf32, #tpu.memory_space<hbm>> -> memref<128x128xf32, #tpu.memory_space<hbm>>
      tpu.enqueue_dma source(%arg6 : memref<128x128xf32, #tpu.memory_space<vmem>>) target(%dma_start3A_49 : memref<128x128xf32, #tpu.memory_space<hbm>>) target_semaphore(%arg14 : memref<!tpu.dma_semaphore, #tpu.memory_space<semaphore_mem>>)
      %mul3A_50 = arith.constant 4 : i32
      %mul3A_51 = arith.muli %scan3A_29, %mul3A_50 : i32
      %add3A_52 = arith.constant 1 : i32
      %add3A_53 = arith.addi %mul3A_51, %add3A_52 : i32
      %mul3A_54 = arith.constant 8 : i32
      %mul3A_55 = arith.muli %add3A_53, %mul3A_54 : i32
      %add3A_56 = arith.addi %mul3A_2, %mul3A_55 : i32
      %mul3A_57 = arith.constant 8 : i32
      %mul3A_58 = arith.muli %add3A_53, %mul3A_57 : i32
      %mul3A_59 = arith.constant 16 : i32
      %mul3A_60 = arith.muli %mul3A_58, %mul3A_59 : i32
      %dma_wait3A_61 = tpu.memref_slice %arg5[%mul3A_60] : memref<5120xi32, #tpu.memory_space<vmem>> -> memref<128xi32, #tpu.memory_space<vmem>>
      %dma_wait3A_62 = arith.constant 0 : i32
      %dma_wait3A_63 = arith.constant 0 : i32
      %dma_wait3A_64 = tpu.memref_slice %arg2[%dma_wait3A_62, %dma_wait3A_63] : memref<10752x128xf32, #tpu.memory_space<hbm>> -> memref<10752x128xf32, #tpu.memory_space<hbm>>
      tpu.wait_indirect_dma semaphore(%arg11 : memref<!tpu.dma_semaphore, #tpu.memory_space<semaphore_mem>>) src(%dma_wait3A_64 : memref<10752x128xf32, #tpu.memory_space<hbm>>) dst(%arg7 : memref<128x128xf32, #tpu.memory_space<vmem>>)
      %mul3A_65 = arith.constant 16 : i32
      %mul3A_66 = arith.muli %add3A_56, %mul3A_65 : i32
      %dma_start3A_67 = arith.constant 0 : i32
      %dma_start3A_68 = tpu.memref_slice %arg4[%mul3A_66, %dma_start3A_67] : memref<163840x128xf32, #tpu.memory_space<hbm>> -> memref<128x128xf32, #tpu.memory_space<hbm>>
      %dma_start3A_69 = arith.constant 0 : i32
      %dma_start3A_70 = tpu.memref_slice %arg4[%mul3A_66, %dma_start3A_69] : memref<163840x128xf32, #tpu.memory_space<hbm>> -> memref<128x128xf32, #tpu.memory_space<hbm>>
      tpu.enqueue_dma source(%arg7 : memref<128x128xf32, #tpu.memory_space<vmem>>) target(%dma_start3A_70 : memref<128x128xf32, #tpu.memory_space<hbm>>) target_semaphore(%arg15 : memref<!tpu.dma_semaphore, #tpu.memory_space<semaphore_mem>>)
      %mul3A_71 = arith.constant 4 : i32
      %mul3A_72 = arith.muli %scan3A_29, %mul3A_71 : i32
      %add3A_73 = arith.constant 2 : i32
      %add3A_74 = arith.addi %mul3A_72, %add3A_73 : i32
      %mul3A_75 = arith.constant 8 : i32
      %mul3A_76 = arith.muli %add3A_74, %mul3A_75 : i32
      %add3A_77 = arith.addi %mul3A_2, %mul3A_76 : i32
      %mul3A_78 = arith.constant 8 : i32
      %mul3A_79 = arith.muli %add3A_74, %mul3A_78 : i32
      %mul3A_80 = arith.constant 16 : i32
      %mul3A_81 = arith.muli %mul3A_79, %mul3A_80 : i32
      %dma_wait3A_82 = tpu.memref_slice %arg5[%mul3A_81] : memref<5120xi32, #tpu.memory_space<vmem>> -> memref<128xi32, #tpu.memory_space<vmem>>
      %dma_wait3A_83 = arith.constant 0 : i32
      %dma_wait3A_84 = arith.constant 0 : i32
      %dma_wait3A_85 = tpu.memref_slice %arg2[%dma_wait3A_83, %dma_wait3A_84] : memref<10752x128xf32, #tpu.memory_space<hbm>> -> memref<10752x128xf32, #tpu.memory_space<hbm>>
      tpu.wait_indirect_dma semaphore(%arg12 : memref<!tpu.dma_semaphore, #tpu.memory_space<semaphore_mem>>) src(%dma_wait3A_85 : memref<10752x128xf32, #tpu.memory_space<hbm>>) dst(%arg8 : memref<128x128xf32, #tpu.memory_space<vmem>>)
      %mul3A_86 = arith.constant 16 : i32
      %mul3A_87 = arith.muli %add3A_77, %mul3A_86 : i32
      %dma_start3A_88 = arith.constant 0 : i32
      %dma_start3A_89 = tpu.memref_slice %arg4[%mul3A_87, %dma_start3A_88] : memref<163840x128xf32, #tpu.memory_space<hbm>> -> memref<128x128xf32, #tpu.memory_space<hbm>>
      %dma_start3A_90 = arith.constant 0 : i32
      %dma_start3A_91 = tpu.memref_slice %arg4[%mul3A_87, %dma_start3A_90] : memref<163840x128xf32, #tpu.memory_space<hbm>> -> memref<128x128xf32, #tpu.memory_space<hbm>>
      tpu.enqueue_dma source(%arg8 : memref<128x128xf32, #tpu.memory_space<vmem>>) target(%dma_start3A_91 : memref<128x128xf32, #tpu.memory_space<hbm>>) target_semaphore(%arg16 : memref<!tpu.dma_semaphore, #tpu.memory_space<semaphore_mem>>)
      %mul3A_92 = arith.constant 4 : i32
      %mul3A_93 = arith.muli %scan3A_29, %mul3A_92 : i32
      %add3A_94 = arith.constant 3 : i32
      %add3A_95 = arith.addi %mul3A_93, %add3A_94 : i32
      %mul3A_96 = arith.constant 8 : i32
      %mul3A_97 = arith.muli %add3A_95, %mul3A_96 : i32
      %add3A_98 = arith.addi %mul3A_2, %mul3A_97 : i32
      %mul3A_99 = arith.constant 8 : i32
      %mul3A_100 = arith.muli %add3A_95, %mul3A_99 : i32
      %mul3A_101 = arith.constant 16 : i32
      %mul3A_102 = arith.muli %mul3A_100, %mul3A_101 : i32
      %dma_wait3A_103 = tpu.memref_slice %arg5[%mul3A_102] : memref<5120xi32, #tpu.memory_space<vmem>> -> memref<128xi32, #tpu.memory_space<vmem>>
      %dma_wait3A_104 = arith.constant 0 : i32
      %dma_wait3A_105 = arith.constant 0 : i32
      %dma_wait3A_106 = tpu.memref_slice %arg2[%dma_wait3A_104, %dma_wait3A_105] : memref<10752x128xf32, #tpu.memory_space<hbm>> -> memref<10752x128xf32, #tpu.memory_space<hbm>>
      tpu.wait_indirect_dma semaphore(%arg13 : memref<!tpu.dma_semaphore, #tpu.memory_space<semaphore_mem>>) src(%dma_wait3A_106 : memref<10752x128xf32, #tpu.memory_space<hbm>>) dst(%arg9 : memref<128x128xf32, #tpu.memory_space<vmem>>)
      %mul3A_107 = arith.constant 16 : i32
      %mul3A_108 = arith.muli %add3A_98, %mul3A_107 : i32
      %dma_start3A_109 = arith.constant 0 : i32
      %dma_start3A_110 = tpu.memref_slice %arg4[%mul3A_108, %dma_start3A_109] : memref<163840x128xf32, #tpu.memory_space<hbm>> -> memref<128x128xf32, #tpu.memory_space<hbm>>
      %dma_start3A_111 = arith.constant 0 : i32
      %dma_start3A_112 = tpu.memref_slice %arg4[%mul3A_108, %dma_start3A_111] : memref<163840x128xf32, #tpu.memory_space<hbm>> -> memref<128x128xf32, #tpu.memory_space<hbm>>
      tpu.enqueue_dma source(%arg9 : memref<128x128xf32, #tpu.memory_space<vmem>>) target(%dma_start3A_112 : memref<128x128xf32, #tpu.memory_space<hbm>>) target_semaphore(%arg17 : memref<!tpu.dma_semaphore, #tpu.memory_space<semaphore_mem>>)
      %mul3A_113 = arith.constant 4 : i32
      %mul3A_114 = arith.muli %scan3A_29, %mul3A_113 : i32
      %add3A_115 = arith.constant 0 : i32
      %add3A_116 = arith.addi %mul3A_114, %add3A_115 : i32
      %mul3A_117 = arith.constant 8 : i32
      %mul3A_118 = arith.muli %add3A_116, %mul3A_117 : i32
      %add3A_119 = arith.addi %mul3A_2, %mul3A_118 : i32
      %mul3A_120 = arith.constant 16 : i32
      %mul3A_121 = arith.muli %add3A_119, %mul3A_120 : i32
      %dma_wait3A_122 = arith.constant 0 : i32
      %dma_wait3A_123 = tpu.memref_slice %arg4[%mul3A_121, %dma_wait3A_122] : memref<163840x128xf32, #tpu.memory_space<hbm>> -> memref<128x128xf32, #tpu.memory_space<hbm>>
      %dma_wait3A_124 = arith.constant 0 : i32
      %dma_wait3A_125 = tpu.memref_slice %arg4[%mul3A_121, %dma_wait3A_124] : memref<163840x128xf32, #tpu.memory_space<hbm>> -> memref<128x128xf32, #tpu.memory_space<hbm>>
      tpu.wait_dma2 semaphore(%arg14 : memref<!tpu.dma_semaphore, #tpu.memory_space<semaphore_mem>>) src(%arg6 : memref<128x128xf32, #tpu.memory_space<vmem>>) dst(%dma_wait3A_125 : memref<128x128xf32, #tpu.memory_space<hbm>>)
      %add3A_126 = arith.constant 4 : i32
      %add3A_127 = arith.addi %add3A_116, %add3A_126 : i32
      %lt3A = arith.constant 40 : i32
      %lt3A_128 = arith.cmpi slt, %add3A_127, %lt3A : i32
      %convert_element_type3A = arith.extui %lt3A_128 : i1 to i32
      %cond3A = arith.constant 0 : i32
      %cond3A_129 = arith.cmpi ne, %convert_element_type3A, %cond3A : i32
      scf.if %cond3A_129 {
        %add3A_190 = arith.constant 4 : i32
        %add3A_191 = arith.addi %add3A_116, %add3A_190 : i32
        %mul3A_192 = arith.constant 8 : i32
        %mul3A_193 = arith.muli %add3A_191, %mul3A_192 : i32
        %mul3A_194 = arith.constant 16 : i32
        %mul3A_195 = arith.muli %mul3A_193, %mul3A_194 : i32
        %dma_start3A_196 = tpu.memref_slice %arg5[%mul3A_195] : memref<5120xi32, #tpu.memory_space<vmem>> -> memref<128xi32, #tpu.memory_space<vmem>>
        %dma_start3A_197 = arith.constant 0 : i32
        %dma_start3A_198 = arith.constant 0 : i32
        %dma_start3A_199 = tpu.memref_slice %arg2[%dma_start3A_197, %dma_start3A_198] : memref<10752x128xf32, #tpu.memory_space<hbm>> -> memref<10752x128xf32, #tpu.memory_space<hbm>>
        tpu.enqueue_indirect_dma source(%dma_start3A_199 : memref<10752x128xf32, #tpu.memory_space<hbm>>) target(%arg6 : memref<128x128xf32, #tpu.memory_space<vmem>>) offsets(%dma_start3A_196 : memref<128xi32, #tpu.memory_space<vmem>>) semaphore(%arg10 : memref<!tpu.dma_semaphore, #tpu.memory_space<semaphore_mem>>)
      } else {
      }
      %mul3A_130 = arith.constant 4 : i32
      %mul3A_131 = arith.muli %scan3A_29, %mul3A_130 : i32
      %add3A_132 = arith.constant 1 : i32
      %add3A_133 = arith.addi %mul3A_131, %add3A_132 : i32
      %mul3A_134 = arith.constant 8 : i32
      %mul3A_135 = arith.muli %add3A_133, %mul3A_134 : i32
      %add3A_136 = arith.addi %mul3A_2, %mul3A_135 : i32
      %mul3A_137 = arith.constant 16 : i32
      %mul3A_138 = arith.muli %add3A_136, %mul3A_137 : i32
      %dma_wait3A_139 = arith.constant 0 : i32
      %dma_wait3A_140 = tpu.memref_slice %arg4[%mul3A_138, %dma_wait3A_139] : memref<163840x128xf32, #tpu.memory_space<hbm>> -> memref<128x128xf32, #tpu.memory_space<hbm>>
      %dma_wait3A_141 = arith.constant 0 : i32
      %dma_wait3A_142 = tpu.memref_slice %arg4[%mul3A_138, %dma_wait3A_141] : memref<163840x128xf32, #tpu.memory_space<hbm>> -> memref<128x128xf32, #tpu.memory_space<hbm>>
      tpu.wait_dma2 semaphore(%arg15 : memref<!tpu.dma_semaphore, #tpu.memory_space<semaphore_mem>>) src(%arg7 : memref<128x128xf32, #tpu.memory_space<vmem>>) dst(%dma_wait3A_142 : memref<128x128xf32, #tpu.memory_space<hbm>>)
      %add3A_143 = arith.constant 4 : i32
      %add3A_144 = arith.addi %add3A_133, %add3A_143 : i32
      %lt3A_145 = arith.constant 40 : i32
      %lt3A_146 = arith.cmpi slt, %add3A_144, %lt3A_145 : i32
      %convert_element_type3A_147 = arith.extui %lt3A_146 : i1 to i32
      %cond3A_148 = arith.constant 0 : i32
      %cond3A_149 = arith.cmpi ne, %convert_element_type3A_147, %cond3A_148 : i32
      scf.if %cond3A_149 {
        %add3A_190 = arith.constant 4 : i32
        %add3A_191 = arith.addi %add3A_133, %add3A_190 : i32
        %mul3A_192 = arith.constant 8 : i32
        %mul3A_193 = arith.muli %add3A_191, %mul3A_192 : i32
        %mul3A_194 = arith.constant 16 : i32
        %mul3A_195 = arith.muli %mul3A_193, %mul3A_194 : i32
        %dma_start3A_196 = tpu.memref_slice %arg5[%mul3A_195] : memref<5120xi32, #tpu.memory_space<vmem>> -> memref<128xi32, #tpu.memory_space<vmem>>
        %dma_start3A_197 = arith.constant 0 : i32
        %dma_start3A_198 = arith.constant 0 : i32
        %dma_start3A_199 = tpu.memref_slice %arg2[%dma_start3A_197, %dma_start3A_198] : memref<10752x128xf32, #tpu.memory_space<hbm>> -> memref<10752x128xf32, #tpu.memory_space<hbm>>
        tpu.enqueue_indirect_dma source(%dma_start3A_199 : memref<10752x128xf32, #tpu.memory_space<hbm>>) target(%arg7 : memref<128x128xf32, #tpu.memory_space<vmem>>) offsets(%dma_start3A_196 : memref<128xi32, #tpu.memory_space<vmem>>) semaphore(%arg11 : memref<!tpu.dma_semaphore, #tpu.memory_space<semaphore_mem>>)
      } else {
      }
      %mul3A_150 = arith.constant 4 : i32
      %mul3A_151 = arith.muli %scan3A_29, %mul3A_150 : i32
      %add3A_152 = arith.constant 2 : i32
      %add3A_153 = arith.addi %mul3A_151, %add3A_152 : i32
      %mul3A_154 = arith.constant 8 : i32
      %mul3A_155 = arith.muli %add3A_153, %mul3A_154 : i32
      %add3A_156 = arith.addi %mul3A_2, %mul3A_155 : i32
      %mul3A_157 = arith.constant 16 : i32
      %mul3A_158 = arith.muli %add3A_156, %mul3A_157 : i32
      %dma_wait3A_159 = arith.constant 0 : i32
      %dma_wait3A_160 = tpu.memref_slice %arg4[%mul3A_158, %dma_wait3A_159] : memref<163840x128xf32, #tpu.memory_space<hbm>> -> memref<128x128xf32, #tpu.memory_space<hbm>>
      %dma_wait3A_161 = arith.constant 0 : i32
      %dma_wait3A_162 = tpu.memref_slice %arg4[%mul3A_158, %dma_wait3A_161] : memref<163840x128xf32, #tpu.memory_space<hbm>> -> memref<128x128xf32, #tpu.memory_space<hbm>>
      tpu.wait_dma2 semaphore(%arg16 : memref<!tpu.dma_semaphore, #tpu.memory_space<semaphore_mem>>) src(%arg8 : memref<128x128xf32, #tpu.memory_space<vmem>>) dst(%dma_wait3A_162 : memref<128x128xf32, #tpu.memory_space<hbm>>)
      %add3A_163 = arith.constant 4 : i32
      %add3A_164 = arith.addi %add3A_153, %add3A_163 : i32
      %lt3A_165 = arith.constant 40 : i32
      %lt3A_166 = arith.cmpi slt, %add3A_164, %lt3A_165 : i32
      %convert_element_type3A_167 = arith.extui %lt3A_166 : i1 to i32
      %cond3A_168 = arith.constant 0 : i32
      %cond3A_169 = arith.cmpi ne, %convert_element_type3A_167, %cond3A_168 : i32
      scf.if %cond3A_169 {
        %add3A_190 = arith.constant 4 : i32
        %add3A_191 = arith.addi %add3A_153, %add3A_190 : i32
        %mul3A_192 = arith.constant 8 : i32
        %mul3A_193 = arith.muli %add3A_191, %mul3A_192 : i32
        %mul3A_194 = arith.constant 16 : i32
        %mul3A_195 = arith.muli %mul3A_193, %mul3A_194 : i32
        %dma_start3A_196 = tpu.memref_slice %arg5[%mul3A_195] : memref<5120xi32, #tpu.memory_space<vmem>> -> memref<128xi32, #tpu.memory_space<vmem>>
        %dma_start3A_197 = arith.constant 0 : i32
        %dma_start3A_198 = arith.constant 0 : i32
        %dma_start3A_199 = tpu.memref_slice %arg2[%dma_start3A_197, %dma_start3A_198] : memref<10752x128xf32, #tpu.memory_space<hbm>> -> memref<10752x128xf32, #tpu.memory_space<hbm>>
        tpu.enqueue_indirect_dma source(%dma_start3A_199 : memref<10752x128xf32, #tpu.memory_space<hbm>>) target(%arg8 : memref<128x128xf32, #tpu.memory_space<vmem>>) offsets(%dma_start3A_196 : memref<128xi32, #tpu.memory_space<vmem>>) semaphore(%arg12 : memref<!tpu.dma_semaphore, #tpu.memory_space<semaphore_mem>>)
      } else {
      }
      %mul3A_170 = arith.constant 4 : i32
      %mul3A_171 = arith.muli %scan3A_29, %mul3A_170 : i32
      %add3A_172 = arith.constant 3 : i32
      %add3A_173 = arith.addi %mul3A_171, %add3A_172 : i32
      %mul3A_174 = arith.constant 8 : i32
      %mul3A_175 = arith.muli %add3A_173, %mul3A_174 : i32
      %add3A_176 = arith.addi %mul3A_2, %mul3A_175 : i32
      %mul3A_177 = arith.constant 16 : i32
      %mul3A_178 = arith.muli %add3A_176, %mul3A_177 : i32
      %dma_wait3A_179 = arith.constant 0 : i32
      %dma_wait3A_180 = tpu.memref_slice %arg4[%mul3A_178, %dma_wait3A_179] : memref<163840x128xf32, #tpu.memory_space<hbm>> -> memref<128x128xf32, #tpu.memory_space<hbm>>
      %dma_wait3A_181 = arith.constant 0 : i32
      %dma_wait3A_182 = tpu.memref_slice %arg4[%mul3A_178, %dma_wait3A_181] : memref<163840x128xf32, #tpu.memory_space<hbm>> -> memref<128x128xf32, #tpu.memory_space<hbm>>
      tpu.wait_dma2 semaphore(%arg17 : memref<!tpu.dma_semaphore, #tpu.memory_space<semaphore_mem>>) src(%arg9 : memref<128x128xf32, #tpu.memory_space<vmem>>) dst(%dma_wait3A_182 : memref<128x128xf32, #tpu.memory_space<hbm>>)
      %add3A_183 = arith.constant 4 : i32
      %add3A_184 = arith.addi %add3A_173, %add3A_183 : i32
      %lt3A_185 = arith.constant 40 : i32
      %lt3A_186 = arith.cmpi slt, %add3A_184, %lt3A_185 : i32
      %convert_element_type3A_187 = arith.extui %lt3A_186 : i1 to i32
      %cond3A_188 = arith.constant 0 : i32
      %cond3A_189 = arith.cmpi ne, %convert_element_type3A_187, %cond3A_188 : i32
      scf.if %cond3A_189 {
        %add3A_190 = arith.constant 4 : i32
        %add3A_191 = arith.addi %add3A_173, %add3A_190 : i32
        %mul3A_192 = arith.constant 8 : i32
        %mul3A_193 = arith.muli %add3A_191, %mul3A_192 : i32
        %mul3A_194 = arith.constant 16 : i32
        %mul3A_195 = arith.muli %mul3A_193, %mul3A_194 : i32
        %dma_start3A_196 = tpu.memref_slice %arg5[%mul3A_195] : memref<5120xi32, #tpu.memory_space<vmem>> -> memref<128xi32, #tpu.memory_space<vmem>>
        %dma_start3A_197 = arith.constant 0 : i32
        %dma_start3A_198 = arith.constant 0 : i32
        %dma_start3A_199 = tpu.memref_slice %arg2[%dma_start3A_197, %dma_start3A_198] : memref<10752x128xf32, #tpu.memory_space<hbm>> -> memref<10752x128xf32, #tpu.memory_space<hbm>>
        tpu.enqueue_indirect_dma source(%dma_start3A_199 : memref<10752x128xf32, #tpu.memory_space<hbm>>) target(%arg9 : memref<128x128xf32, #tpu.memory_space<vmem>>) offsets(%dma_start3A_196 : memref<128xi32, #tpu.memory_space<vmem>>) semaphore(%arg13 : memref<!tpu.dma_semaphore, #tpu.memory_space<semaphore_mem>>)
      } else {
      }
    }
    %scan3A_28 = arith.constant 10 : i32
    return
  }
}

module attributes {stable_mosaic.version = 14 : i64} {
  func.func @wrapped(%arg0: i32, %arg1: memref<256x128xf32, #tpu.memory_space<vmem>>, %arg2: memref<256x1xi32, #tpu.memory_space<vmem>>, %arg3: memref<256x1xf32, #tpu.memory_space<vmem>>, %arg4: memref<8x128xi32, #tpu.memory_space<vmem>>) attributes {dimension_semantics = [#tpu.dimension_semantics<arbitrary>], iteration_bounds = array<i64: 42>, scalar_prefetch = 0 : i64, scratch_operands = 0 : i64, tpu.core_type = #tpu.core_type<tc>, window_params = [{transform_indices = @transform_0, window_bounds = array<i64: 256, 128>}, {transform_indices = @transform_1, window_bounds = array<i64: 256, 1>}, {transform_indices = @transform_2, window_bounds = array<i64: 256, 1>}, {pipeline_mode = #tpu.pipeline_mode<synchronous>, transform_indices = @transform_3, window_bounds = array<i64: 8, 128>}]} {
    %get3A = arith.constant 0 : index
    %get3A_0 = arith.constant 0 : index
    %get3A_1 = vector.load %arg1[%get3A, %get3A_0] : memref<256x128xf32, #tpu.memory_space<vmem>>, vector<256x128xf32>
    %mul3A = arith.mulf %get3A_1, %get3A_1 : vector<256x128xf32>
    %reduce_sum3A = arith.constant dense<0.000000e+00> : vector<256xf32>
    %reduce_sum3A_2 = vector.multi_reduction <add>, %mul3A, %reduce_sum3A [1] : vector<256x128xf32> to vector<256xf32>
    %broadcast_in_dim3A = vector.shape_cast %reduce_sum3A_2 : vector<256xf32> to vector<256x1xf32>
    %swap3A = arith.constant 0 : index
    %swap3A_3 = arith.constant 0 : index
    %swap3A_4 = vector.load %arg3[%swap3A, %swap3A_3] : memref<256x1xf32, #tpu.memory_space<vmem>>, vector<256x1xf32>
    tpu.vector_store %arg3[%swap3A, %swap3A_3], %broadcast_in_dim3A {strides = array<i32>} : memref<256x1xf32, #tpu.memory_space<vmem>>, vector<256x1xf32>,
    %get3A_5 = arith.constant 0 : index
    %get3A_6 = arith.constant 0 : index
    %get3A_7 = vector.load %arg2[%get3A_5, %get3A_6] : memref<256x1xi32, #tpu.memory_space<vmem>>, vector<256x1xi32>
    %iota3A = tpu.iota {dimensions = array<i32: 1>} : vector<256x128xi32>
    %lt3A = vector.broadcast %get3A_7 : vector<256x1xi32> to vector<256x128xi32>
    %lt3A_8 = arith.cmpi slt, %lt3A, %iota3A : vector<256x128xi32>
    %jit3A = arith.constant 1 : i32
    %jit3A_9 = arith.constant 0 : i32
    %broadcast_in_dim3A_10 = vector.broadcast %jit3A : i32 to vector<256x128xi32>
    %broadcast_in_dim3A_11 = vector.broadcast %jit3A_9 : i32 to vector<256x128xi32>
    %select_n3A = arith.select %lt3A_8, %broadcast_in_dim3A_10, %broadcast_in_dim3A_11 : vector<256x128xi1>, vector<256x128xi32>
    %reduce_sum3A_12 = arith.constant dense<0> : vector<128xi32>
    %reduce_sum3A_13 = vector.multi_reduction <add>, %select_n3A, %reduce_sum3A_12 [0] : vector<256x128xi32> to vector<128xi32>
    %broadcast_in_dim3A_14 = vector.shape_cast %reduce_sum3A_13 : vector<128xi32> to vector<1x128xi32>
    %eq3A = arith.constant 0 : i32
    %eq3A_15 = arith.cmpi eq, %arg0, %eq3A : i32
    %convert_element_type3A = arith.extui %eq3A_15 : i1 to i32
    %cond3A = arith.constant 0 : i32
    %cond3A_16 = arith.cmpi ne, %convert_element_type3A, %cond3A : i32
    scf.if %cond3A_16 {
      %broadcast_in_dim3A_23 = arith.constant 0 : i32
      %broadcast_in_dim3A_24 = vector.broadcast %broadcast_in_dim3A_23 : i32 to vector<8x128xi32>
      %swap3A_25 = arith.constant 0 : index
      %swap3A_26 = arith.constant 0 : index
      %swap3A_27 = vector.load %arg4[%swap3A_25, %swap3A_26] : memref<8x128xi32, #tpu.memory_space<vmem>>, vector<8x128xi32>
      tpu.vector_store %arg4[%swap3A_25, %swap3A_26], %broadcast_in_dim3A_24 {strides = array<i32>} : memref<8x128xi32, #tpu.memory_space<vmem>>, vector<8x128xi32>,
    } else {
    }
    %get3A_17 = arith.constant 0 : index
    %get3A_18 = arith.constant 0 : index
    %get3A_19 = vector.load %arg4[%get3A_17, %get3A_18] : memref<8x128xi32, #tpu.memory_space<vmem>>, vector<1x128xi32>
    %add3A = arith.addi %get3A_19, %broadcast_in_dim3A_14 : vector<1x128xi32>
    %swap3A_20 = arith.constant 0 : index
    %swap3A_21 = arith.constant 0 : index
    %swap3A_22 = vector.load %arg4[%swap3A_20, %swap3A_21] : memref<8x128xi32, #tpu.memory_space<vmem>>, vector<1x128xi32>
    tpu.vector_store %arg4[%swap3A_20, %swap3A_21], %add3A {strides = array<i32>} : memref<8x128xi32, #tpu.memory_space<vmem>>, vector<1x128xi32>,
    return
  }
  func.func @transform_0(%arg0: i32) -> (i32, i32) {
    %c0_i32 = arith.constant 0 : i32
    %c0_i32_0 = arith.constant 0 : i32
    return %arg0, %c0_i32 : i32, i32
  }
  func.func @transform_1(%arg0: i32) -> (i32, i32) {
    %c0_i32 = arith.constant 0 : i32
    %c0_i32_0 = arith.constant 0 : i32
    return %arg0, %c0_i32 : i32, i32
  }
  func.func @transform_2(%arg0: i32) -> (i32, i32) {
    %c0_i32 = arith.constant 0 : i32
    %c0_i32_0 = arith.constant 0 : i32
    return %arg0, %c0_i32 : i32, i32
  }
  func.func @transform_3(%arg0: i32) -> (i32, i32) {
    %c0_i32 = arith.constant 0 : i32
    %c0_i32_0 = arith.constant 0 : i32
    %c0_i32_1 = arith.constant 0 : i32
    return %c0_i32, %c0_i32_0 : i32, i32
  }
}

module attributes {stable_mosaic.version = 14 : i64} {
  func.func @_topk_body(%arg0: i32, %arg1: memref<10752x128xf32, #tpu.memory_space<vmem>>, %arg2: memref<10752x1xf32, #tpu.memory_space<vmem>>, %arg3: memref<8x10752xf32, #tpu.memory_space<vmem>>, %arg4: memref<10752x1xi32, #tpu.memory_space<vmem>>, %arg5: memref<8x10752xi32, #tpu.memory_space<vmem>>, %arg6: memref<80x2xi32, #tpu.memory_space<smem>>, %arg7: memref<16x128xi32, #tpu.memory_space<vmem>>) attributes {dimension_semantics = [#tpu.dimension_semantics<arbitrary>], iteration_bounds = array<i64: 80>, scalar_prefetch = 0 : i64, scratch_operands = 0 : i64, tpu.core_type = #tpu.core_type<tc>, window_params = [{pipeline_mode = #tpu.pipeline_mode<synchronous>, transform_indices = @transform_0, window_bounds = array<i64: 10752, 128>}, {pipeline_mode = #tpu.pipeline_mode<synchronous>, transform_indices = @transform_1, window_bounds = array<i64: 10752, 1>}, {pipeline_mode = #tpu.pipeline_mode<synchronous>, transform_indices = @transform_2, window_bounds = array<i64: 8, 10752>}, {pipeline_mode = #tpu.pipeline_mode<synchronous>, transform_indices = @transform_3, window_bounds = array<i64: 10752, 1>}, {pipeline_mode = #tpu.pipeline_mode<synchronous>, transform_indices = @transform_4, window_bounds = array<i64: 8, 10752>}, {transform_indices = @transform_5, window_bounds = array<i64: 80, 2>}, {transform_indices = @transform_6, window_bounds = array<i64: 16, 128>}]} {
    %mul3A = arith.constant 128 : i32
    %mul3A_0 = arith.muli %arg0, %mul3A : i32
    %multiple_of3A = tpu.assume_multiple %mul3A_0, 128 : i32
    %get3A = arith.index_cast %multiple_of3A : i32 to index
    %get3A_1 = arith.constant 0 : index
    %get3A_2 = vector.load %arg1[%get3A, %get3A_1] : memref<10752x128xf32, #tpu.memory_space<vmem>>, vector<128x128xf32>
    %get3A_3 = arith.constant 0 : index
    %get3A_4 = arith.index_cast %multiple_of3A : i32 to index
    %get3A_5 = vector.load %arg3[%get3A_3, %get3A_4] : memref<8x10752xf32, #tpu.memory_space<vmem>>, vector<1x128xf32>
    %get3A_6 = arith.constant 0 : index
    %get3A_7 = arith.index_cast %multiple_of3A : i32 to index
    %get3A_8 = vector.load %arg5[%get3A_6, %get3A_7] : memref<8x10752xi32, #tpu.memory_space<vmem>>, vector<1x128xi32>
    %get3A_9 = arith.index_cast %arg0 : i32 to index
    %get3A_10 = arith.constant 0 : index
    %get3A_11 = memref.load %arg6[%get3A_9, %get3A_10] : memref<80x2xi32, #tpu.memory_space<smem>>
    %get3A_12 = arith.index_cast %arg0 : i32 to index
    %get3A_13 = arith.constant 1 : index
    %get3A_14 = memref.load %arg6[%get3A_12, %get3A_13] : memref<80x2xi32, #tpu.memory_space<smem>>
    %broadcast_in_dim3A = arith.constant 0x7F800000 : f32
    %broadcast_in_dim3A_15 = vector.broadcast %broadcast_in_dim3A : f32 to vector<16x128xf32>
    %broadcast_in_dim3A_16 = arith.constant 0x4C000000 : f32
    %broadcast_in_dim3A_17 = vector.broadcast %broadcast_in_dim3A_16 : f32 to vector<16x128xf32>
    %while3A = arith.constant 0 : i32
    %while3A_18 = arith.subi %get3A_14, %while3A : i32
    %while3A_19 = arith.addi %while3A, %while3A_18 : i32
    %while3A_20 = arith.constant 1 : i32
    %while3A_21 = arith.divsi %while3A_18, %while3A_20 : i32
    %while3A_22 = arith.muli %while3A_21, %while3A_20 : i32
    %while3A_23 = arith.addi %while3A, %while3A_22 : i32
    %while3A_24 = arith.constant 1 : i32
    %while3A_25:2 = scf.for %while3A_32 = %while3A to %while3A_23 step %while3A_24 iter_args(%while3A_33 = %broadcast_in_dim3A_15, %while3A_34 = %broadcast_in_dim3A_17) -> (vector<16x128xf32>, vector<16x128xf32>)  : i32 {
      %mul3A_35 = arith.constant 512 : i32
      %mul3A_36 = arith.muli %while3A_32, %mul3A_35 : i32
      %add3A = arith.addi %get3A_11, %mul3A_36 : i32
      %multiple_of3A_37 = tpu.assume_multiple %add3A, 128 : i32
      %get3A_38 = arith.index_cast %multiple_of3A_37 : i32 to index
      %get3A_39 = arith.constant 0 : index
      %get3A_40 = vector.load %arg1[%get3A_38, %get3A_39] : memref<10752x128xf32, #tpu.memory_space<vmem>>, vector<512x128xf32>
      %dot_general3A = arith.constant dense<0.000000e+00> : vector<512x128xf32>
      %dot_general3A_41 = tpu.matmul %get3A_40, %get3A_2, %dot_general3A {dimension_numbers = #tpu.dot_dimension_numbers<[1], [1], [0], [0], [0, 0, 1, 0], [], []>, transpose_lhs_hint = false} : vector<512x128xf32>, vector<128x128xf32>, vector<512x128xf32> -> vector<512x128xf32>
      %get3A_42 = arith.index_cast %multiple_of3A_37 : i32 to index
      %get3A_43 = arith.constant 0 : index
      %get3A_44 = vector.load %arg2[%get3A_42, %get3A_43] : memref<10752x1xf32, #tpu.memory_space<vmem>>, vector<512x1xf32>
      %add3A_45 = vector.broadcast %get3A_44 : vector<512x1xf32> to vector<512x128xf32>
      %add3A_46 = vector.broadcast %get3A_5 : vector<1x128xf32> to vector<512x128xf32>
      %add3A_47 = arith.addf %add3A_45, %add3A_46 : vector<512x128xf32>
      %mul3A_48 = arith.constant 2.000000e+00 : f32
      %mul3A_49 = vector.broadcast %mul3A_48 : f32 to vector<512x128xf32>
      %mul3A_50 = arith.mulf %mul3A_49, %dot_general3A_41 : vector<512x128xf32>
      %sub3A = arith.subf %add3A_47, %mul3A_50 : vector<512x128xf32>
      %get3A_51 = arith.index_cast %multiple_of3A_37 : i32 to index
      %get3A_52 = arith.constant 0 : index
      %get3A_53 = vector.load %arg4[%get3A_51, %get3A_52] : memref<10752x1xi32, #tpu.memory_space<vmem>>, vector<512x1xi32>
      %eq3A = vector.broadcast %get3A_53 : vector<512x1xi32> to vector<512x128xi32>
      %eq3A_54 = vector.broadcast %get3A_8 : vector<1x128xi32> to vector<512x128xi32>
      %eq3A_55 = arith.cmpi eq, %eq3A, %eq3A_54 : vector<512x128xi32>
      %jit3A = arith.constant 0x7F800000 : f32
      %broadcast_in_dim3A_56 = vector.broadcast %jit3A : f32 to vector<512x128xf32>
      %select_n3A = arith.select %eq3A_55, %sub3A, %broadcast_in_dim3A_56 : vector<512x128xi1>, vector<512x128xf32>
      %convert_element_type3A_57 = arith.sitofp %multiple_of3A_37 : i32 to f32
      %iota3A = tpu.iota {dimensions = array<i32: 0>} : vector<512x128xi32>
      %convert_element_type3A_58 = arith.sitofp %iota3A : vector<512x128xi32> to vector<512x128xf32>
      %add3A_59 = vector.broadcast %convert_element_type3A_57 : f32 to vector<512x128xf32>
      %add3A_60 = arith.addf %add3A_59, %convert_element_type3A_58 : vector<512x128xf32>
      %concatenate3A = tpu.concatenate %while3A_33, %select_n3A in 0 : vector<16x128xf32>, vector<512x128xf32> -> vector<528x128xf32>
      %concatenate3A_61 = tpu.concatenate %while3A_34, %add3A_60 in 0 : vector<16x128xf32>, vector<512x128xf32> -> vector<528x128xf32>
      %reduce_min3A = arith.constant dense<0x7F800000> : vector<128xf32>
      %reduce_min3A_62 = vector.multi_reduction <minimumf>, %concatenate3A, %reduce_min3A [0] : vector<528x128xf32> to vector<128xf32>
      %broadcast_in_dim3A_63 = vector.shape_cast %reduce_min3A_62 : vector<128xf32> to vector<1x128xf32>
      %eq3A_64 = vector.broadcast %broadcast_in_dim3A_63 : vector<1x128xf32> to vector<528x128xf32>
      %eq3A_65 = arith.cmpf oeq, %concatenate3A, %eq3A_64 : vector<528x128xf32>
      %jit3A_66 = arith.constant 0x4C000000 : f32
      %broadcast_in_dim3A_67 = vector.broadcast %jit3A_66 : f32 to vector<528x128xf32>
      %select_n3A_68 = arith.select %eq3A_65, %concatenate3A_61, %broadcast_in_dim3A_67 : vector<528x128xi1>, vector<528x128xf32>
      %reduce_min3A_69 = arith.constant dense<0x7F800000> : vector<128xf32>
      %reduce_min3A_70 = vector.multi_reduction <minimumf>, %select_n3A_68, %reduce_min3A_69 [0] : vector<528x128xf32> to vector<128xf32>
      %broadcast_in_dim3A_71 = vector.shape_cast %reduce_min3A_70 : vector<128xf32> to vector<1x128xf32>
      %eq3A_72 = vector.broadcast %broadcast_in_dim3A_71 : vector<1x128xf32> to vector<528x128xf32>
      %eq3A_73 = arith.cmpf oeq, %concatenate3A_61, %eq3A_72 : vector<528x128xf32>
      %jit3A_74 = arith.constant 0x7F800000 : f32
      %broadcast_in_dim3A_75 = vector.broadcast %jit3A_74 : f32 to vector<528x128xf32>
      %select_n3A_76 = arith.select %eq3A_73, %broadcast_in_dim3A_75, %concatenate3A : vector<528x128xi1>, vector<528x128xf32>
      %reduce_min3A_77 = arith.constant dense<0x7F800000> : vector<128xf32>
      %reduce_min3A_78 = vector.multi_reduction <minimumf>, %select_n3A_76, %reduce_min3A_77 [0] : vector<528x128xf32> to vector<128xf32>
      %broadcast_in_dim3A_79 = vector.shape_cast %reduce_min3A_78 : vector<128xf32> to vector<1x128xf32>
      %eq3A_80 = vector.broadcast %broadcast_in_dim3A_79 : vector<1x128xf32> to vector<528x128xf32>
      %eq3A_81 = arith.cmpf oeq, %select_n3A_76, %eq3A_80 : vector<528x128xf32>
      %jit3A_82 = arith.constant 0x4C000000 : f32
      %broadcast_in_dim3A_83 = vector.broadcast %jit3A_82 : f32 to vector<528x128xf32>
      %select_n3A_84 = arith.select %eq3A_81, %concatenate3A_61, %broadcast_in_dim3A_83 : vector<528x128xi1>, vector<528x128xf32>
      %reduce_min3A_85 = arith.constant dense<0x7F800000> : vector<128xf32>
      %reduce_min3A_86 = vector.multi_reduction <minimumf>, %select_n3A_84, %reduce_min3A_85 [0] : vector<528x128xf32> to vector<128xf32>
      %broadcast_in_dim3A_87 = vector.shape_cast %reduce_min3A_86 : vector<128xf32> to vector<1x128xf32>
      %eq3A_88 = vector.broadcast %broadcast_in_dim3A_87 : vector<1x128xf32> to vector<528x128xf32>
      %eq3A_89 = arith.cmpf oeq, %concatenate3A_61, %eq3A_88 : vector<528x128xf32>
      %jit3A_90 = arith.constant 0x7F800000 : f32
      %broadcast_in_dim3A_91 = vector.broadcast %jit3A_90 : f32 to vector<528x128xf32>
      %select_n3A_92 = arith.select %eq3A_89, %broadcast_in_dim3A_91, %select_n3A_76 : vector<528x128xi1>, vector<528x128xf32>
      %reduce_min3A_93 = arith.constant dense<0x7F800000> : vector<128xf32>
      %reduce_min3A_94 = vector.multi_reduction <minimumf>, %select_n3A_92, %reduce_min3A_93 [0] : vector<528x128xf32> to vector<128xf32>
      %broadcast_in_dim3A_95 = vector.shape_cast %reduce_min3A_94 : vector<128xf32> to vector<1x128xf32>
      %eq3A_96 = vector.broadcast %broadcast_in_dim3A_95 : vector<1x128xf32> to vector<528x128xf32>
      %eq3A_97 = arith.cmpf oeq, %select_n3A_92, %eq3A_96 : vector<528x128xf32>
      %jit3A_98 = arith.constant 0x4C000000 : f32
      %broadcast_in_dim3A_99 = vector.broadcast %jit3A_98 : f32 to vector<528x128xf32>
      %select_n3A_100 = arith.select %eq3A_97, %concatenate3A_61, %broadcast_in_dim3A_99 : vector<528x128xi1>, vector<528x128xf32>
      %reduce_min3A_101 = arith.constant dense<0x7F800000> : vector<128xf32>
      %reduce_min3A_102 = vector.multi_reduction <minimumf>, %select_n3A_100, %reduce_min3A_101 [0] : vector<528x128xf32> to vector<128xf32>
      %broadcast_in_dim3A_103 = vector.shape_cast %reduce_min3A_102 : vector<128xf32> to vector<1x128xf32>
      %eq3A_104 = vector.broadcast %broadcast_in_dim3A_103 : vector<1x128xf32> to vector<528x128xf32>
      %eq3A_105 = arith.cmpf oeq, %concatenate3A_61, %eq3A_104 : vector<528x128xf32>
      %jit3A_106 = arith.constant 0x7F800000 : f32
      %broadcast_in_dim3A_107 = vector.broadcast %jit3A_106 : f32 to vector<528x128xf32>
      %select_n3A_108 = arith.select %eq3A_105, %broadcast_in_dim3A_107, %select_n3A_92 : vector<528x128xi1>, vector<528x128xf32>
      %reduce_min3A_109 = arith.constant dense<0x7F800000> : vector<128xf32>
      %reduce_min3A_110 = vector.multi_reduction <minimumf>, %select_n3A_108, %reduce_min3A_109 [0] : vector<528x128xf32> to vector<128xf32>
      %broadcast_in_dim3A_111 = vector.shape_cast %reduce_min3A_110 : vector<128xf32> to vector<1x128xf32>
      %eq3A_112 = vector.broadcast %broadcast_in_dim3A_111 : vector<1x128xf32> to vector<528x128xf32>
      %eq3A_113 = arith.cmpf oeq, %select_n3A_108, %eq3A_112 : vector<528x128xf32>
      %jit3A_114 = arith.constant 0x4C000000 : f32
      %broadcast_in_dim3A_115 = vector.broadcast %jit3A_114 : f32 to vector<528x128xf32>
      %select_n3A_116 = arith.select %eq3A_113, %concatenate3A_61, %broadcast_in_dim3A_115 : vector<528x128xi1>, vector<528x128xf32>
      %reduce_min3A_117 = arith.constant dense<0x7F800000> : vector<128xf32>
      %reduce_min3A_118 = vector.multi_reduction <minimumf>, %select_n3A_116, %reduce_min3A_117 [0] : vector<528x128xf32> to vector<128xf32>
      %broadcast_in_dim3A_119 = vector.shape_cast %reduce_min3A_118 : vector<128xf32> to vector<1x128xf32>
      %eq3A_120 = vector.broadcast %broadcast_in_dim3A_119 : vector<1x128xf32> to vector<528x128xf32>
      %eq3A_121 = arith.cmpf oeq, %concatenate3A_61, %eq3A_120 : vector<528x128xf32>
      %jit3A_122 = arith.constant 0x7F800000 : f32
      %broadcast_in_dim3A_123 = vector.broadcast %jit3A_122 : f32 to vector<528x128xf32>
      %select_n3A_124 = arith.select %eq3A_121, %broadcast_in_dim3A_123, %select_n3A_108 : vector<528x128xi1>, vector<528x128xf32>
      %reduce_min3A_125 = arith.constant dense<0x7F800000> : vector<128xf32>
      %reduce_min3A_126 = vector.multi_reduction <minimumf>, %select_n3A_124, %reduce_min3A_125 [0] : vector<528x128xf32> to vector<128xf32>
      %broadcast_in_dim3A_127 = vector.shape_cast %reduce_min3A_126 : vector<128xf32> to vector<1x128xf32>
      %eq3A_128 = vector.broadcast %broadcast_in_dim3A_127 : vector<1x128xf32> to vector<528x128xf32>
      %eq3A_129 = arith.cmpf oeq, %select_n3A_124, %eq3A_128 : vector<528x128xf32>
      %jit3A_130 = arith.constant 0x4C000000 : f32
      %broadcast_in_dim3A_131 = vector.broadcast %jit3A_130 : f32 to vector<528x128xf32>
      %select_n3A_132 = arith.select %eq3A_129, %concatenate3A_61, %broadcast_in_dim3A_131 : vector<528x128xi1>, vector<528x128xf32>
      %reduce_min3A_133 = arith.constant dense<0x7F800000> : vector<128xf32>
      %reduce_min3A_134 = vector.multi_reduction <minimumf>, %select_n3A_132, %reduce_min3A_133 [0] : vector<528x128xf32> to vector<128xf32>
      %broadcast_in_dim3A_135 = vector.shape_cast %reduce_min3A_134 : vector<128xf32> to vector<1x128xf32>
      %eq3A_136 = vector.broadcast %broadcast_in_dim3A_135 : vector<1x128xf32> to vector<528x128xf32>
      %eq3A_137 = arith.cmpf oeq, %concatenate3A_61, %eq3A_136 : vector<528x128xf32>
      %jit3A_138 = arith.constant 0x7F800000 : f32
      %broadcast_in_dim3A_139 = vector.broadcast %jit3A_138 : f32 to vector<528x128xf32>
      %select_n3A_140 = arith.select %eq3A_137, %broadcast_in_dim3A_139, %select_n3A_124 : vector<528x128xi1>, vector<528x128xf32>
      %reduce_min3A_141 = arith.constant dense<0x7F800000> : vector<128xf32>
      %reduce_min3A_142 = vector.multi_reduction <minimumf>, %select_n3A_140, %reduce_min3A_141 [0] : vector<528x128xf32> to vector<128xf32>
      %broadcast_in_dim3A_143 = vector.shape_cast %reduce_min3A_142 : vector<128xf32> to vector<1x128xf32>
      %eq3A_144 = vector.broadcast %broadcast_in_dim3A_143 : vector<1x128xf32> to vector<528x128xf32>
      %eq3A_145 = arith.cmpf oeq, %select_n3A_140, %eq3A_144 : vector<528x128xf32>
      %jit3A_146 = arith.constant 0x4C000000 : f32
      %broadcast_in_dim3A_147 = vector.broadcast %jit3A_146 : f32 to vector<528x128xf32>
      %select_n3A_148 = arith.select %eq3A_145, %concatenate3A_61, %broadcast_in_dim3A_147 : vector<528x128xi1>, vector<528x128xf32>
      %reduce_min3A_149 = arith.constant dense<0x7F800000> : vector<128xf32>
      %reduce_min3A_150 = vector.multi_reduction <minimumf>, %select_n3A_148, %reduce_min3A_149 [0] : vector<528x128xf32> to vector<128xf32>
      %broadcast_in_dim3A_151 = vector.shape_cast %reduce_min3A_150 : vector<128xf32> to vector<1x128xf32>
      %eq3A_152 = vector.broadcast %broadcast_in_dim3A_151 : vector<1x128xf32> to vector<528x128xf32>
      %eq3A_153 = arith.cmpf oeq, %concatenate3A_61, %eq3A_152 : vector<528x128xf32>
      %jit3A_154 = arith.constant 0x7F800000 : f32
      %broadcast_in_dim3A_155 = vector.broadcast %jit3A_154 : f32 to vector<528x128xf32>
      %select_n3A_156 = arith.select %eq3A_153, %broadcast_in_dim3A_155, %select_n3A_140 : vector<528x128xi1>, vector<528x128xf32>
      %reduce_min3A_157 = arith.constant dense<0x7F800000> : vector<128xf32>
      %reduce_min3A_158 = vector.multi_reduction <minimumf>, %select_n3A_156, %reduce_min3A_157 [0] : vector<528x128xf32> to vector<128xf32>
      %broadcast_in_dim3A_159 = vector.shape_cast %reduce_min3A_158 : vector<128xf32> to vector<1x128xf32>
      %eq3A_160 = vector.broadcast %broadcast_in_dim3A_159 : vector<1x128xf32> to vector<528x128xf32>
      %eq3A_161 = arith.cmpf oeq, %select_n3A_156, %eq3A_160 : vector<528x128xf32>
      %jit3A_162 = arith.constant 0x4C000000 : f32
      %broadcast_in_dim3A_163 = vector.broadcast %jit3A_162 : f32 to vector<528x128xf32>
      %select_n3A_164 = arith.select %eq3A_161, %concatenate3A_61, %broadcast_in_dim3A_163 : vector<528x128xi1>, vector<528x128xf32>
      %reduce_min3A_165 = arith.constant dense<0x7F800000> : vector<128xf32>
      %reduce_min3A_166 = vector.multi_reduction <minimumf>, %select_n3A_164, %reduce_min3A_165 [0] : vector<528x128xf32> to vector<128xf32>
      %broadcast_in_dim3A_167 = vector.shape_cast %reduce_min3A_166 : vector<128xf32> to vector<1x128xf32>
      %eq3A_168 = vector.broadcast %broadcast_in_dim3A_167 : vector<1x128xf32> to vector<528x128xf32>
      %eq3A_169 = arith.cmpf oeq, %concatenate3A_61, %eq3A_168 : vector<528x128xf32>
      %jit3A_170 = arith.constant 0x7F800000 : f32
      %broadcast_in_dim3A_171 = vector.broadcast %jit3A_170 : f32 to vector<528x128xf32>
      %select_n3A_172 = arith.select %eq3A_169, %broadcast_in_dim3A_171, %select_n3A_156 : vector<528x128xi1>, vector<528x128xf32>
      %reduce_min3A_173 = arith.constant dense<0x7F800000> : vector<128xf32>
      %reduce_min3A_174 = vector.multi_reduction <minimumf>, %select_n3A_172, %reduce_min3A_173 [0] : vector<528x128xf32> to vector<128xf32>
      %broadcast_in_dim3A_175 = vector.shape_cast %reduce_min3A_174 : vector<128xf32> to vector<1x128xf32>
      %eq3A_176 = vector.broadcast %broadcast_in_dim3A_175 : vector<1x128xf32> to vector<528x128xf32>
      %eq3A_177 = arith.cmpf oeq, %select_n3A_172, %eq3A_176 : vector<528x128xf32>
      %jit3A_178 = arith.constant 0x4C000000 : f32
      %broadcast_in_dim3A_179 = vector.broadcast %jit3A_178 : f32 to vector<528x128xf32>
      %select_n3A_180 = arith.select %eq3A_177, %concatenate3A_61, %broadcast_in_dim3A_179 : vector<528x128xi1>, vector<528x128xf32>
      %reduce_min3A_181 = arith.constant dense<0x7F800000> : vector<128xf32>
      %reduce_min3A_182 = vector.multi_reduction <minimumf>, %select_n3A_180, %reduce_min3A_181 [0] : vector<528x128xf32> to vector<128xf32>
      %broadcast_in_dim3A_183 = vector.shape_cast %reduce_min3A_182 : vector<128xf32> to vector<1x128xf32>
      %eq3A_184 = vector.broadcast %broadcast_in_dim3A_183 : vector<1x128xf32> to vector<528x128xf32>
      %eq3A_185 = arith.cmpf oeq, %concatenate3A_61, %eq3A_184 : vector<528x128xf32>
      %jit3A_186 = arith.constant 0x7F800000 : f32
      %broadcast_in_dim3A_187 = vector.broadcast %jit3A_186 : f32 to vector<528x128xf32>
      %select_n3A_188 = arith.select %eq3A_185, %broadcast_in_dim3A_187, %select_n3A_172 : vector<528x128xi1>, vector<528x128xf32>
      %reduce_min3A_189 = arith.constant dense<0x7F800000> : vector<128xf32>
      %reduce_min3A_190 = vector.multi_reduction <minimumf>, %select_n3A_188, %reduce_min3A_189 [0] : vector<528x128xf32> to vector<128xf32>
      %broadcast_in_dim3A_191 = vector.shape_cast %reduce_min3A_190 : vector<128xf32> to vector<1x128xf32>
      %eq3A_192 = vector.broadcast %broadcast_in_dim3A_191 : vector<1x128xf32> to vector<528x128xf32>
      %eq3A_193 = arith.cmpf oeq, %select_n3A_188, %eq3A_192 : vector<528x128xf32>
      %jit3A_194 = arith.constant 0x4C000000 : f32
      %broadcast_in_dim3A_195 = vector.broadcast %jit3A_194 : f32 to vector<528x128xf32>
      %select_n3A_196 = arith.select %eq3A_193, %concatenate3A_61, %broadcast_in_dim3A_195 : vector<528x128xi1>, vector<528x128xf32>
      %reduce_min3A_197 = arith.constant dense<0x7F800000> : vector<128xf32>
      %reduce_min3A_198 = vector.multi_reduction <minimumf>, %select_n3A_196, %reduce_min3A_197 [0] : vector<528x128xf32> to vector<128xf32>
      %broadcast_in_dim3A_199 = vector.shape_cast %reduce_min3A_198 : vector<128xf32> to vector<1x128xf32>
      %eq3A_200 = vector.broadcast %broadcast_in_dim3A_199 : vector<1x128xf32> to vector<528x128xf32>
      %eq3A_201 = arith.cmpf oeq, %concatenate3A_61, %eq3A_200 : vector<528x128xf32>
      %jit3A_202 = arith.constant 0x7F800000 : f32
      %broadcast_in_dim3A_203 = vector.broadcast %jit3A_202 : f32 to vector<528x128xf32>
      %select_n3A_204 = arith.select %eq3A_201, %broadcast_in_dim3A_203, %select_n3A_188 : vector<528x128xi1>, vector<528x128xf32>
      %reduce_min3A_205 = arith.constant dense<0x7F800000> : vector<128xf32>
      %reduce_min3A_206 = vector.multi_reduction <minimumf>, %select_n3A_204, %reduce_min3A_205 [0] : vector<528x128xf32> to vector<128xf32>
      %broadcast_in_dim3A_207 = vector.shape_cast %reduce_min3A_206 : vector<128xf32> to vector<1x128xf32>
      %eq3A_208 = vector.broadcast %broadcast_in_dim3A_207 : vector<1x128xf32> to vector<528x128xf32>
      %eq3A_209 = arith.cmpf oeq, %select_n3A_204, %eq3A_208 : vector<528x128xf32>
      %jit3A_210 = arith.constant 0x4C000000 : f32
      %broadcast_in_dim3A_211 = vector.broadcast %jit3A_210 : f32 to vector<528x128xf32>
      %select_n3A_212 = arith.select %eq3A_209, %concatenate3A_61, %broadcast_in_dim3A_211 : vector<528x128xi1>, vector<528x128xf32>
      %reduce_min3A_213 = arith.constant dense<0x7F800000> : vector<128xf32>
      %reduce_min3A_214 = vector.multi_reduction <minimumf>, %select_n3A_212, %reduce_min3A_213 [0] : vector<528x128xf32> to vector<128xf32>
      %broadcast_in_dim3A_215 = vector.shape_cast %reduce_min3A_214 : vector<128xf32> to vector<1x128xf32>
      %eq3A_216 = vector.broadcast %broadcast_in_dim3A_215 : vector<1x128xf32> to vector<528x128xf32>
      %eq3A_217 = arith.cmpf oeq, %concatenate3A_61, %eq3A_216 : vector<528x128xf32>
      %jit3A_218 = arith.constant 0x7F800000 : f32
      %broadcast_in_dim3A_219 = vector.broadcast %jit3A_218 : f32 to vector<528x128xf32>
      %select_n3A_220 = arith.select %eq3A_217, %broadcast_in_dim3A_219, %select_n3A_204 : vector<528x128xi1>, vector<528x128xf32>
      %reduce_min3A_221 = arith.constant dense<0x7F800000> : vector<128xf32>
      %reduce_min3A_222 = vector.multi_reduction <minimumf>, %select_n3A_220, %reduce_min3A_221 [0] : vector<528x128xf32> to vector<128xf32>
      %broadcast_in_dim3A_223 = vector.shape_cast %reduce_min3A_222 : vector<128xf32> to vector<1x128xf32>
      %eq3A_224 = vector.broadcast %broadcast_in_dim3A_223 : vector<1x128xf32> to vector<528x128xf32>
      %eq3A_225 = arith.cmpf oeq, %select_n3A_220, %eq3A_224 : vector<528x128xf32>
      %jit3A_226 = arith.constant 0x4C000000 : f32
      %broadcast_in_dim3A_227 = vector.broadcast %jit3A_226 : f32 to vector<528x128xf32>
      %select_n3A_228 = arith.select %eq3A_225, %concatenate3A_61, %broadcast_in_dim3A_227 : vector<528x128xi1>, vector<528x128xf32>
      %reduce_min3A_229 = arith.constant dense<0x7F800000> : vector<128xf32>
      %reduce_min3A_230 = vector.multi_reduction <minimumf>, %select_n3A_228, %reduce_min3A_229 [0] : vector<528x128xf32> to vector<128xf32>
      %broadcast_in_dim3A_231 = vector.shape_cast %reduce_min3A_230 : vector<128xf32> to vector<1x128xf32>
      %eq3A_232 = vector.broadcast %broadcast_in_dim3A_231 : vector<1x128xf32> to vector<528x128xf32>
      %eq3A_233 = arith.cmpf oeq, %concatenate3A_61, %eq3A_232 : vector<528x128xf32>
      %jit3A_234 = arith.constant 0x7F800000 : f32
      %broadcast_in_dim3A_235 = vector.broadcast %jit3A_234 : f32 to vector<528x128xf32>
      %select_n3A_236 = arith.select %eq3A_233, %broadcast_in_dim3A_235, %select_n3A_220 : vector<528x128xi1>, vector<528x128xf32>
      %reduce_min3A_237 = arith.constant dense<0x7F800000> : vector<128xf32>
      %reduce_min3A_238 = vector.multi_reduction <minimumf>, %select_n3A_236, %reduce_min3A_237 [0] : vector<528x128xf32> to vector<128xf32>
      %broadcast_in_dim3A_239 = vector.shape_cast %reduce_min3A_238 : vector<128xf32> to vector<1x128xf32>
      %eq3A_240 = vector.broadcast %broadcast_in_dim3A_239 : vector<1x128xf32> to vector<528x128xf32>
      %eq3A_241 = arith.cmpf oeq, %select_n3A_236, %eq3A_240 : vector<528x128xf32>
      %jit3A_242 = arith.constant 0x4C000000 : f32
      %broadcast_in_dim3A_243 = vector.broadcast %jit3A_242 : f32 to vector<528x128xf32>
      %select_n3A_244 = arith.select %eq3A_241, %concatenate3A_61, %broadcast_in_dim3A_243 : vector<528x128xi1>, vector<528x128xf32>
      %reduce_min3A_245 = arith.constant dense<0x7F800000> : vector<128xf32>
      %reduce_min3A_246 = vector.multi_reduction <minimumf>, %select_n3A_244, %reduce_min3A_245 [0] : vector<528x128xf32> to vector<128xf32>
      %broadcast_in_dim3A_247 = vector.shape_cast %reduce_min3A_246 : vector<128xf32> to vector<1x128xf32>
      %eq3A_248 = vector.broadcast %broadcast_in_dim3A_247 : vector<1x128xf32> to vector<528x128xf32>
      %eq3A_249 = arith.cmpf oeq, %concatenate3A_61, %eq3A_248 : vector<528x128xf32>
      %jit3A_250 = arith.constant 0x7F800000 : f32
      %broadcast_in_dim3A_251 = vector.broadcast %jit3A_250 : f32 to vector<528x128xf32>
      %select_n3A_252 = arith.select %eq3A_249, %broadcast_in_dim3A_251, %select_n3A_236 : vector<528x128xi1>, vector<528x128xf32>
      %reduce_min3A_253 = arith.constant dense<0x7F800000> : vector<128xf32>
      %reduce_min3A_254 = vector.multi_reduction <minimumf>, %select_n3A_252, %reduce_min3A_253 [0] : vector<528x128xf32> to vector<128xf32>
      %broadcast_in_dim3A_255 = vector.shape_cast %reduce_min3A_254 : vector<128xf32> to vector<1x128xf32>
      %eq3A_256 = vector.broadcast %broadcast_in_dim3A_255 : vector<1x128xf32> to vector<528x128xf32>
      %eq3A_257 = arith.cmpf oeq, %select_n3A_252, %eq3A_256 : vector<528x128xf32>
      %jit3A_258 = arith.constant 0x4C000000 : f32
      %broadcast_in_dim3A_259 = vector.broadcast %jit3A_258 : f32 to vector<528x128xf32>
      %select_n3A_260 = arith.select %eq3A_257, %concatenate3A_61, %broadcast_in_dim3A_259 : vector<528x128xi1>, vector<528x128xf32>
      %reduce_min3A_261 = arith.constant dense<0x7F800000> : vector<128xf32>
      %reduce_min3A_262 = vector.multi_reduction <minimumf>, %select_n3A_260, %reduce_min3A_261 [0] : vector<528x128xf32> to vector<128xf32>
      %broadcast_in_dim3A_263 = vector.shape_cast %reduce_min3A_262 : vector<128xf32> to vector<1x128xf32>
      %eq3A_264 = vector.broadcast %broadcast_in_dim3A_263 : vector<1x128xf32> to vector<528x128xf32>
      %eq3A_265 = arith.cmpf oeq, %concatenate3A_61, %eq3A_264 : vector<528x128xf32>
      %jit3A_266 = arith.constant 0x7F800000 : f32
      %broadcast_in_dim3A_267 = vector.broadcast %jit3A_266 : f32 to vector<528x128xf32>
      %select_n3A_268 = arith.select %eq3A_265, %broadcast_in_dim3A_267, %select_n3A_252 : vector<528x128xi1>, vector<528x128xf32>
      %reduce_min3A_269 = arith.constant dense<0x7F800000> : vector<128xf32>
      %reduce_min3A_270 = vector.multi_reduction <minimumf>, %select_n3A_268, %reduce_min3A_269 [0] : vector<528x128xf32> to vector<128xf32>
      %broadcast_in_dim3A_271 = vector.shape_cast %reduce_min3A_270 : vector<128xf32> to vector<1x128xf32>
      %eq3A_272 = vector.broadcast %broadcast_in_dim3A_271 : vector<1x128xf32> to vector<528x128xf32>
      %eq3A_273 = arith.cmpf oeq, %select_n3A_268, %eq3A_272 : vector<528x128xf32>
      %jit3A_274 = arith.constant 0x4C000000 : f32
      %broadcast_in_dim3A_275 = vector.broadcast %jit3A_274 : f32 to vector<528x128xf32>
      %select_n3A_276 = arith.select %eq3A_273, %concatenate3A_61, %broadcast_in_dim3A_275 : vector<528x128xi1>, vector<528x128xf32>
      %reduce_min3A_277 = arith.constant dense<0x7F800000> : vector<128xf32>
      %reduce_min3A_278 = vector.multi_reduction <minimumf>, %select_n3A_276, %reduce_min3A_277 [0] : vector<528x128xf32> to vector<128xf32>
      %broadcast_in_dim3A_279 = vector.shape_cast %reduce_min3A_278 : vector<128xf32> to vector<1x128xf32>
      %eq3A_280 = vector.broadcast %broadcast_in_dim3A_279 : vector<1x128xf32> to vector<528x128xf32>
      %eq3A_281 = arith.cmpf oeq, %concatenate3A_61, %eq3A_280 : vector<528x128xf32>
      %jit3A_282 = arith.constant 0x7F800000 : f32
      %broadcast_in_dim3A_283 = vector.broadcast %jit3A_282 : f32 to vector<528x128xf32>
      %select_n3A_284 = arith.select %eq3A_281, %broadcast_in_dim3A_283, %select_n3A_268 : vector<528x128xi1>, vector<528x128xf32>
      %reduce_min3A_285 = arith.constant dense<0x7F800000> : vector<128xf32>
      %reduce_min3A_286 = vector.multi_reduction <minimumf>, %select_n3A_284, %reduce_min3A_285 [0] : vector<528x128xf32> to vector<128xf32>
      %broadcast_in_dim3A_287 = vector.shape_cast %reduce_min3A_286 : vector<128xf32> to vector<1x128xf32>
      %eq3A_288 = vector.broadcast %broadcast_in_dim3A_287 : vector<1x128xf32> to vector<528x128xf32>
      %eq3A_289 = arith.cmpf oeq, %select_n3A_284, %eq3A_288 : vector<528x128xf32>
      %jit3A_290 = arith.constant 0x4C000000 : f32
      %broadcast_in_dim3A_291 = vector.broadcast %jit3A_290 : f32 to vector<528x128xf32>
      %select_n3A_292 = arith.select %eq3A_289, %concatenate3A_61, %broadcast_in_dim3A_291 : vector<528x128xi1>, vector<528x128xf32>
      %reduce_min3A_293 = arith.constant dense<0x7F800000> : vector<128xf32>
      %reduce_min3A_294 = vector.multi_reduction <minimumf>, %select_n3A_292, %reduce_min3A_293 [0] : vector<528x128xf32> to vector<128xf32>
      %broadcast_in_dim3A_295 = vector.shape_cast %reduce_min3A_294 : vector<128xf32> to vector<1x128xf32>
      %eq3A_296 = vector.broadcast %broadcast_in_dim3A_295 : vector<1x128xf32> to vector<528x128xf32>
      %eq3A_297 = arith.cmpf oeq, %concatenate3A_61, %eq3A_296 : vector<528x128xf32>
      %jit3A_298 = arith.constant 0x7F800000 : f32
      %broadcast_in_dim3A_299 = vector.broadcast %jit3A_298 : f32 to vector<528x128xf32>
      %select_n3A_300 = arith.select %eq3A_297, %broadcast_in_dim3A_299, %select_n3A_284 : vector<528x128xi1>, vector<528x128xf32>
      %reduce_min3A_301 = arith.constant dense<0x7F800000> : vector<128xf32>
      %reduce_min3A_302 = vector.multi_reduction <minimumf>, %select_n3A_300, %reduce_min3A_301 [0] : vector<528x128xf32> to vector<128xf32>
      %broadcast_in_dim3A_303 = vector.shape_cast %reduce_min3A_302 : vector<128xf32> to vector<1x128xf32>
      %eq3A_304 = vector.broadcast %broadcast_in_dim3A_303 : vector<1x128xf32> to vector<528x128xf32>
      %eq3A_305 = arith.cmpf oeq, %select_n3A_300, %eq3A_304 : vector<528x128xf32>
      %jit3A_306 = arith.constant 0x4C000000 : f32
      %broadcast_in_dim3A_307 = vector.broadcast %jit3A_306 : f32 to vector<528x128xf32>
      %select_n3A_308 = arith.select %eq3A_305, %concatenate3A_61, %broadcast_in_dim3A_307 : vector<528x128xi1>, vector<528x128xf32>
      %reduce_min3A_309 = arith.constant dense<0x7F800000> : vector<128xf32>
      %reduce_min3A_310 = vector.multi_reduction <minimumf>, %select_n3A_308, %reduce_min3A_309 [0] : vector<528x128xf32> to vector<128xf32>
      %broadcast_in_dim3A_311 = vector.shape_cast %reduce_min3A_310 : vector<128xf32> to vector<1x128xf32>
      %concatenate3A_312 = tpu.concatenate %broadcast_in_dim3A_63, %broadcast_in_dim3A_79, %broadcast_in_dim3A_95, %broadcast_in_dim3A_111, %broadcast_in_dim3A_127, %broadcast_in_dim3A_143, %broadcast_in_dim3A_159, %broadcast_in_dim3A_175, %broadcast_in_dim3A_191, %broadcast_in_dim3A_207, %broadcast_in_dim3A_223, %broadcast_in_dim3A_239, %broadcast_in_dim3A_255, %broadcast_in_dim3A_271, %broadcast_in_dim3A_287, %broadcast_in_dim3A_303 in 0 : vector<1x128xf32>, vector<1x128xf32>, vector<1x128xf32>, vector<1x128xf32>, vector<1x128xf32>, vector<1x128xf32>, vector<1x128xf32>, vector<1x128xf32>, vector<1x128xf32>, vector<1x128xf32>, vector<1x128xf32>, vector<1x128xf32>, vector<1x128xf32>, vector<1x128xf32>, vector<1x128xf32>, vector<1x128xf32> -> vector<16x128xf32>
      %concatenate3A_313 = tpu.concatenate %broadcast_in_dim3A_71, %broadcast_in_dim3A_87, %broadcast_in_dim3A_103, %broadcast_in_dim3A_119, %broadcast_in_dim3A_135, %broadcast_in_dim3A_151, %broadcast_in_dim3A_167, %broadcast_in_dim3A_183, %broadcast_in_dim3A_199, %broadcast_in_dim3A_215, %broadcast_in_dim3A_231, %broadcast_in_dim3A_247, %broadcast_in_dim3A_263, %broadcast_in_dim3A_279, %broadcast_in_dim3A_295, %broadcast_in_dim3A_311 in 0 : vector<1x128xf32>, vector<1x128xf32>, vector<1x128xf32>, vector<1x128xf32>, vector<1x128xf32>, vector<1x128xf32>, vector<1x128xf32>, vector<1x128xf32>, vector<1x128xf32>, vector<1x128xf32>, vector<1x128xf32>, vector<1x128xf32>, vector<1x128xf32>, vector<1x128xf32>, vector<1x128xf32>, vector<1x128xf32> -> vector<16x128xf32>
      scf.yield %concatenate3A_312, %concatenate3A_313 : vector<16x128xf32>, vector<16x128xf32>
    }
    %while3A_26 = arith.constant 1 : i32
    %while3A_27:2 = scf.for %while3A_32 = %while3A_23 to %while3A_19 step %while3A_26 iter_args(%while3A_33 = %while3A_25#0, %while3A_34 = %while3A_25#1) -> (vector<16x128xf32>, vector<16x128xf32>)  : i32 {
      %mul3A_35 = arith.constant 512 : i32
      %mul3A_36 = arith.muli %while3A_32, %mul3A_35 : i32
      %add3A = arith.addi %get3A_11, %mul3A_36 : i32
      %multiple_of3A_37 = tpu.assume_multiple %add3A, 128 : i32
      %get3A_38 = arith.index_cast %multiple_of3A_37 : i32 to index
      %get3A_39 = arith.constant 0 : index
      %get3A_40 = vector.load %arg1[%get3A_38, %get3A_39] : memref<10752x128xf32, #tpu.memory_space<vmem>>, vector<512x128xf32>
      %dot_general3A = arith.constant dense<0.000000e+00> : vector<512x128xf32>
      %dot_general3A_41 = tpu.matmul %get3A_40, %get3A_2, %dot_general3A {dimension_numbers = #tpu.dot_dimension_numbers<[1], [1], [0], [0], [0, 0, 1, 0], [], []>, transpose_lhs_hint = false} : vector<512x128xf32>, vector<128x128xf32>, vector<512x128xf32> -> vector<512x128xf32>
      %get3A_42 = arith.index_cast %multiple_of3A_37 : i32 to index
      %get3A_43 = arith.constant 0 : index
      %get3A_44 = vector.load %arg2[%get3A_42, %get3A_43] : memref<10752x1xf32, #tpu.memory_space<vmem>>, vector<512x1xf32>
      %add3A_45 = vector.broadcast %get3A_44 : vector<512x1xf32> to vector<512x128xf32>
      %add3A_46 = vector.broadcast %get3A_5 : vector<1x128xf32> to vector<512x128xf32>
      %add3A_47 = arith.addf %add3A_45, %add3A_46 : vector<512x128xf32>
      %mul3A_48 = arith.constant 2.000000e+00 : f32
      %mul3A_49 = vector.broadcast %mul3A_48 : f32 to vector<512x128xf32>
      %mul3A_50 = arith.mulf %mul3A_49, %dot_general3A_41 : vector<512x128xf32>
      %sub3A = arith.subf %add3A_47, %mul3A_50 : vector<512x128xf32>
      %get3A_51 = arith.index_cast %multiple_of3A_37 : i32 to index
      %get3A_52 = arith.constant 0 : index
      %get3A_53 = vector.load %arg4[%get3A_51, %get3A_52] : memref<10752x1xi32, #tpu.memory_space<vmem>>, vector<512x1xi32>
      %eq3A = vector.broadcast %get3A_53 : vector<512x1xi32> to vector<512x128xi32>
      %eq3A_54 = vector.broadcast %get3A_8 : vector<1x128xi32> to vector<512x128xi32>
      %eq3A_55 = arith.cmpi eq, %eq3A, %eq3A_54 : vector<512x128xi32>
      %jit3A = arith.constant 0x7F800000 : f32
      %broadcast_in_dim3A_56 = vector.broadcast %jit3A : f32 to vector<512x128xf32>
      %select_n3A = arith.select %eq3A_55, %sub3A, %broadcast_in_dim3A_56 : vector<512x128xi1>, vector<512x128xf32>
      %convert_element_type3A_57 = arith.sitofp %multiple_of3A_37 : i32 to f32
      %iota3A = tpu.iota {dimensions = array<i32: 0>} : vector<512x128xi32>
      %convert_element_type3A_58 = arith.sitofp %iota3A : vector<512x128xi32> to vector<512x128xf32>
      %add3A_59 = vector.broadcast %convert_element_type3A_57 : f32 to vector<512x128xf32>
      %add3A_60 = arith.addf %add3A_59, %convert_element_type3A_58 : vector<512x128xf32>
      %concatenate3A = tpu.concatenate %while3A_33, %select_n3A in 0 : vector<16x128xf32>, vector<512x128xf32> -> vector<528x128xf32>
      %concatenate3A_61 = tpu.concatenate %while3A_34, %add3A_60 in 0 : vector<16x128xf32>, vector<512x128xf32> -> vector<528x128xf32>
      %reduce_min3A = arith.constant dense<0x7F800000> : vector<128xf32>
      %reduce_min3A_62 = vector.multi_reduction <minimumf>, %concatenate3A, %reduce_min3A [0] : vector<528x128xf32> to vector<128xf32>
      %broadcast_in_dim3A_63 = vector.shape_cast %reduce_min3A_62 : vector<128xf32> to vector<1x128xf32>
      %eq3A_64 = vector.broadcast %broadcast_in_dim3A_63 : vector<1x128xf32> to vector<528x128xf32>
      %eq3A_65 = arith.cmpf oeq, %concatenate3A, %eq3A_64 : vector<528x128xf32>
      %jit3A_66 = arith.constant 0x4C000000 : f32
      %broadcast_in_dim3A_67 = vector.broadcast %jit3A_66 : f32 to vector<528x128xf32>
      %select_n3A_68 = arith.select %eq3A_65, %concatenate3A_61, %broadcast_in_dim3A_67 : vector<528x128xi1>, vector<528x128xf32>
      %reduce_min3A_69 = arith.constant dense<0x7F800000> : vector<128xf32>
      %reduce_min3A_70 = vector.multi_reduction <minimumf>, %select_n3A_68, %reduce_min3A_69 [0] : vector<528x128xf32> to vector<128xf32>
      %broadcast_in_dim3A_71 = vector.shape_cast %reduce_min3A_70 : vector<128xf32> to vector<1x128xf32>
      %eq3A_72 = vector.broadcast %broadcast_in_dim3A_71 : vector<1x128xf32> to vector<528x128xf32>
      %eq3A_73 = arith.cmpf oeq, %concatenate3A_61, %eq3A_72 : vector<528x128xf32>
      %jit3A_74 = arith.constant 0x7F800000 : f32
      %broadcast_in_dim3A_75 = vector.broadcast %jit3A_74 : f32 to vector<528x128xf32>
      %select_n3A_76 = arith.select %eq3A_73, %broadcast_in_dim3A_75, %concatenate3A : vector<528x128xi1>, vector<528x128xf32>
      %reduce_min3A_77 = arith.constant dense<0x7F800000> : vector<128xf32>
      %reduce_min3A_78 = vector.multi_reduction <minimumf>, %select_n3A_76, %reduce_min3A_77 [0] : vector<528x128xf32> to vector<128xf32>
      %broadcast_in_dim3A_79 = vector.shape_cast %reduce_min3A_78 : vector<128xf32> to vector<1x128xf32>
      %eq3A_80 = vector.broadcast %broadcast_in_dim3A_79 : vector<1x128xf32> to vector<528x128xf32>
      %eq3A_81 = arith.cmpf oeq, %select_n3A_76, %eq3A_80 : vector<528x128xf32>
      %jit3A_82 = arith.constant 0x4C000000 : f32
      %broadcast_in_dim3A_83 = vector.broadcast %jit3A_82 : f32 to vector<528x128xf32>
      %select_n3A_84 = arith.select %eq3A_81, %concatenate3A_61, %broadcast_in_dim3A_83 : vector<528x128xi1>, vector<528x128xf32>
      %reduce_min3A_85 = arith.constant dense<0x7F800000> : vector<128xf32>
      %reduce_min3A_86 = vector.multi_reduction <minimumf>, %select_n3A_84, %reduce_min3A_85 [0] : vector<528x128xf32> to vector<128xf32>
      %broadcast_in_dim3A_87 = vector.shape_cast %reduce_min3A_86 : vector<128xf32> to vector<1x128xf32>
      %eq3A_88 = vector.broadcast %broadcast_in_dim3A_87 : vector<1x128xf32> to vector<528x128xf32>
      %eq3A_89 = arith.cmpf oeq, %concatenate3A_61, %eq3A_88 : vector<528x128xf32>
      %jit3A_90 = arith.constant 0x7F800000 : f32
      %broadcast_in_dim3A_91 = vector.broadcast %jit3A_90 : f32 to vector<528x128xf32>
      %select_n3A_92 = arith.select %eq3A_89, %broadcast_in_dim3A_91, %select_n3A_76 : vector<528x128xi1>, vector<528x128xf32>
      %reduce_min3A_93 = arith.constant dense<0x7F800000> : vector<128xf32>
      %reduce_min3A_94 = vector.multi_reduction <minimumf>, %select_n3A_92, %reduce_min3A_93 [0] : vector<528x128xf32> to vector<128xf32>
      %broadcast_in_dim3A_95 = vector.shape_cast %reduce_min3A_94 : vector<128xf32> to vector<1x128xf32>
      %eq3A_96 = vector.broadcast %broadcast_in_dim3A_95 : vector<1x128xf32> to vector<528x128xf32>
      %eq3A_97 = arith.cmpf oeq, %select_n3A_92, %eq3A_96 : vector<528x128xf32>
      %jit3A_98 = arith.constant 0x4C000000 : f32
      %broadcast_in_dim3A_99 = vector.broadcast %jit3A_98 : f32 to vector<528x128xf32>
      %select_n3A_100 = arith.select %eq3A_97, %concatenate3A_61, %broadcast_in_dim3A_99 : vector<528x128xi1>, vector<528x128xf32>
      %reduce_min3A_101 = arith.constant dense<0x7F800000> : vector<128xf32>
      %reduce_min3A_102 = vector.multi_reduction <minimumf>, %select_n3A_100, %reduce_min3A_101 [0] : vector<528x128xf32> to vector<128xf32>
      %broadcast_in_dim3A_103 = vector.shape_cast %reduce_min3A_102 : vector<128xf32> to vector<1x128xf32>
      %eq3A_104 = vector.broadcast %broadcast_in_dim3A_103 : vector<1x128xf32> to vector<528x128xf32>
      %eq3A_105 = arith.cmpf oeq, %concatenate3A_61, %eq3A_104 : vector<528x128xf32>
      %jit3A_106 = arith.constant 0x7F800000 : f32
      %broadcast_in_dim3A_107 = vector.broadcast %jit3A_106 : f32 to vector<528x128xf32>
      %select_n3A_108 = arith.select %eq3A_105, %broadcast_in_dim3A_107, %select_n3A_92 : vector<528x128xi1>, vector<528x128xf32>
      %reduce_min3A_109 = arith.constant dense<0x7F800000> : vector<128xf32>
      %reduce_min3A_110 = vector.multi_reduction <minimumf>, %select_n3A_108, %reduce_min3A_109 [0] : vector<528x128xf32> to vector<128xf32>
      %broadcast_in_dim3A_111 = vector.shape_cast %reduce_min3A_110 : vector<128xf32> to vector<1x128xf32>
      %eq3A_112 = vector.broadcast %broadcast_in_dim3A_111 : vector<1x128xf32> to vector<528x128xf32>
      %eq3A_113 = arith.cmpf oeq, %select_n3A_108, %eq3A_112 : vector<528x128xf32>
      %jit3A_114 = arith.constant 0x4C000000 : f32
      %broadcast_in_dim3A_115 = vector.broadcast %jit3A_114 : f32 to vector<528x128xf32>
      %select_n3A_116 = arith.select %eq3A_113, %concatenate3A_61, %broadcast_in_dim3A_115 : vector<528x128xi1>, vector<528x128xf32>
      %reduce_min3A_117 = arith.constant dense<0x7F800000> : vector<128xf32>
      %reduce_min3A_118 = vector.multi_reduction <minimumf>, %select_n3A_116, %reduce_min3A_117 [0] : vector<528x128xf32> to vector<128xf32>
      %broadcast_in_dim3A_119 = vector.shape_cast %reduce_min3A_118 : vector<128xf32> to vector<1x128xf32>
      %eq3A_120 = vector.broadcast %broadcast_in_dim3A_119 : vector<1x128xf32> to vector<528x128xf32>
      %eq3A_121 = arith.cmpf oeq, %concatenate3A_61, %eq3A_120 : vector<528x128xf32>
      %jit3A_122 = arith.constant 0x7F800000 : f32
      %broadcast_in_dim3A_123 = vector.broadcast %jit3A_122 : f32 to vector<528x128xf32>
      %select_n3A_124 = arith.select %eq3A_121, %broadcast_in_dim3A_123, %select_n3A_108 : vector<528x128xi1>, vector<528x128xf32>
      %reduce_min3A_125 = arith.constant dense<0x7F800000> : vector<128xf32>
      %reduce_min3A_126 = vector.multi_reduction <minimumf>, %select_n3A_124, %reduce_min3A_125 [0] : vector<528x128xf32> to vector<128xf32>
      %broadcast_in_dim3A_127 = vector.shape_cast %reduce_min3A_126 : vector<128xf32> to vector<1x128xf32>
      %eq3A_128 = vector.broadcast %broadcast_in_dim3A_127 : vector<1x128xf32> to vector<528x128xf32>
      %eq3A_129 = arith.cmpf oeq, %select_n3A_124, %eq3A_128 : vector<528x128xf32>
      %jit3A_130 = arith.constant 0x4C000000 : f32
      %broadcast_in_dim3A_131 = vector.broadcast %jit3A_130 : f32 to vector<528x128xf32>
      %select_n3A_132 = arith.select %eq3A_129, %concatenate3A_61, %broadcast_in_dim3A_131 : vector<528x128xi1>, vector<528x128xf32>
      %reduce_min3A_133 = arith.constant dense<0x7F800000> : vector<128xf32>
      %reduce_min3A_134 = vector.multi_reduction <minimumf>, %select_n3A_132, %reduce_min3A_133 [0] : vector<528x128xf32> to vector<128xf32>
      %broadcast_in_dim3A_135 = vector.shape_cast %reduce_min3A_134 : vector<128xf32> to vector<1x128xf32>
      %eq3A_136 = vector.broadcast %broadcast_in_dim3A_135 : vector<1x128xf32> to vector<528x128xf32>
      %eq3A_137 = arith.cmpf oeq, %concatenate3A_61, %eq3A_136 : vector<528x128xf32>
      %jit3A_138 = arith.constant 0x7F800000 : f32
      %broadcast_in_dim3A_139 = vector.broadcast %jit3A_138 : f32 to vector<528x128xf32>
      %select_n3A_140 = arith.select %eq3A_137, %broadcast_in_dim3A_139, %select_n3A_124 : vector<528x128xi1>, vector<528x128xf32>
      %reduce_min3A_141 = arith.constant dense<0x7F800000> : vector<128xf32>
      %reduce_min3A_142 = vector.multi_reduction <minimumf>, %select_n3A_140, %reduce_min3A_141 [0] : vector<528x128xf32> to vector<128xf32>
      %broadcast_in_dim3A_143 = vector.shape_cast %reduce_min3A_142 : vector<128xf32> to vector<1x128xf32>
      %eq3A_144 = vector.broadcast %broadcast_in_dim3A_143 : vector<1x128xf32> to vector<528x128xf32>
      %eq3A_145 = arith.cmpf oeq, %select_n3A_140, %eq3A_144 : vector<528x128xf32>
      %jit3A_146 = arith.constant 0x4C000000 : f32
      %broadcast_in_dim3A_147 = vector.broadcast %jit3A_146 : f32 to vector<528x128xf32>
      %select_n3A_148 = arith.select %eq3A_145, %concatenate3A_61, %broadcast_in_dim3A_147 : vector<528x128xi1>, vector<528x128xf32>
      %reduce_min3A_149 = arith.constant dense<0x7F800000> : vector<128xf32>
      %reduce_min3A_150 = vector.multi_reduction <minimumf>, %select_n3A_148, %reduce_min3A_149 [0] : vector<528x128xf32> to vector<128xf32>
      %broadcast_in_dim3A_151 = vector.shape_cast %reduce_min3A_150 : vector<128xf32> to vector<1x128xf32>
      %eq3A_152 = vector.broadcast %broadcast_in_dim3A_151 : vector<1x128xf32> to vector<528x128xf32>
      %eq3A_153 = arith.cmpf oeq, %concatenate3A_61, %eq3A_152 : vector<528x128xf32>
      %jit3A_154 = arith.constant 0x7F800000 : f32
      %broadcast_in_dim3A_155 = vector.broadcast %jit3A_154 : f32 to vector<528x128xf32>
      %select_n3A_156 = arith.select %eq3A_153, %broadcast_in_dim3A_155, %select_n3A_140 : vector<528x128xi1>, vector<528x128xf32>
      %reduce_min3A_157 = arith.constant dense<0x7F800000> : vector<128xf32>
      %reduce_min3A_158 = vector.multi_reduction <minimumf>, %select_n3A_156, %reduce_min3A_157 [0] : vector<528x128xf32> to vector<128xf32>
      %broadcast_in_dim3A_159 = vector.shape_cast %reduce_min3A_158 : vector<128xf32> to vector<1x128xf32>
      %eq3A_160 = vector.broadcast %broadcast_in_dim3A_159 : vector<1x128xf32> to vector<528x128xf32>
      %eq3A_161 = arith.cmpf oeq, %select_n3A_156, %eq3A_160 : vector<528x128xf32>
      %jit3A_162 = arith.constant 0x4C000000 : f32
      %broadcast_in_dim3A_163 = vector.broadcast %jit3A_162 : f32 to vector<528x128xf32>
      %select_n3A_164 = arith.select %eq3A_161, %concatenate3A_61, %broadcast_in_dim3A_163 : vector<528x128xi1>, vector<528x128xf32>
      %reduce_min3A_165 = arith.constant dense<0x7F800000> : vector<128xf32>
      %reduce_min3A_166 = vector.multi_reduction <minimumf>, %select_n3A_164, %reduce_min3A_165 [0] : vector<528x128xf32> to vector<128xf32>
      %broadcast_in_dim3A_167 = vector.shape_cast %reduce_min3A_166 : vector<128xf32> to vector<1x128xf32>
      %eq3A_168 = vector.broadcast %broadcast_in_dim3A_167 : vector<1x128xf32> to vector<528x128xf32>
      %eq3A_169 = arith.cmpf oeq, %concatenate3A_61, %eq3A_168 : vector<528x128xf32>
      %jit3A_170 = arith.constant 0x7F800000 : f32
      %broadcast_in_dim3A_171 = vector.broadcast %jit3A_170 : f32 to vector<528x128xf32>
      %select_n3A_172 = arith.select %eq3A_169, %broadcast_in_dim3A_171, %select_n3A_156 : vector<528x128xi1>, vector<528x128xf32>
      %reduce_min3A_173 = arith.constant dense<0x7F800000> : vector<128xf32>
      %reduce_min3A_174 = vector.multi_reduction <minimumf>, %select_n3A_172, %reduce_min3A_173 [0] : vector<528x128xf32> to vector<128xf32>
      %broadcast_in_dim3A_175 = vector.shape_cast %reduce_min3A_174 : vector<128xf32> to vector<1x128xf32>
      %eq3A_176 = vector.broadcast %broadcast_in_dim3A_175 : vector<1x128xf32> to vector<528x128xf32>
      %eq3A_177 = arith.cmpf oeq, %select_n3A_172, %eq3A_176 : vector<528x128xf32>
      %jit3A_178 = arith.constant 0x4C000000 : f32
      %broadcast_in_dim3A_179 = vector.broadcast %jit3A_178 : f32 to vector<528x128xf32>
      %select_n3A_180 = arith.select %eq3A_177, %concatenate3A_61, %broadcast_in_dim3A_179 : vector<528x128xi1>, vector<528x128xf32>
      %reduce_min3A_181 = arith.constant dense<0x7F800000> : vector<128xf32>
      %reduce_min3A_182 = vector.multi_reduction <minimumf>, %select_n3A_180, %reduce_min3A_181 [0] : vector<528x128xf32> to vector<128xf32>
      %broadcast_in_dim3A_183 = vector.shape_cast %reduce_min3A_182 : vector<128xf32> to vector<1x128xf32>
      %eq3A_184 = vector.broadcast %broadcast_in_dim3A_183 : vector<1x128xf32> to vector<528x128xf32>
      %eq3A_185 = arith.cmpf oeq, %concatenate3A_61, %eq3A_184 : vector<528x128xf32>
      %jit3A_186 = arith.constant 0x7F800000 : f32
      %broadcast_in_dim3A_187 = vector.broadcast %jit3A_186 : f32 to vector<528x128xf32>
      %select_n3A_188 = arith.select %eq3A_185, %broadcast_in_dim3A_187, %select_n3A_172 : vector<528x128xi1>, vector<528x128xf32>
      %reduce_min3A_189 = arith.constant dense<0x7F800000> : vector<128xf32>
      %reduce_min3A_190 = vector.multi_reduction <minimumf>, %select_n3A_188, %reduce_min3A_189 [0] : vector<528x128xf32> to vector<128xf32>
      %broadcast_in_dim3A_191 = vector.shape_cast %reduce_min3A_190 : vector<128xf32> to vector<1x128xf32>
      %eq3A_192 = vector.broadcast %broadcast_in_dim3A_191 : vector<1x128xf32> to vector<528x128xf32>
      %eq3A_193 = arith.cmpf oeq, %select_n3A_188, %eq3A_192 : vector<528x128xf32>
      %jit3A_194 = arith.constant 0x4C000000 : f32
      %broadcast_in_dim3A_195 = vector.broadcast %jit3A_194 : f32 to vector<528x128xf32>
      %select_n3A_196 = arith.select %eq3A_193, %concatenate3A_61, %broadcast_in_dim3A_195 : vector<528x128xi1>, vector<528x128xf32>
      %reduce_min3A_197 = arith.constant dense<0x7F800000> : vector<128xf32>
      %reduce_min3A_198 = vector.multi_reduction <minimumf>, %select_n3A_196, %reduce_min3A_197 [0] : vector<528x128xf32> to vector<128xf32>
      %broadcast_in_dim3A_199 = vector.shape_cast %reduce_min3A_198 : vector<128xf32> to vector<1x128xf32>
      %eq3A_200 = vector.broadcast %broadcast_in_dim3A_199 : vector<1x128xf32> to vector<528x128xf32>
      %eq3A_201 = arith.cmpf oeq, %concatenate3A_61, %eq3A_200 : vector<528x128xf32>
      %jit3A_202 = arith.constant 0x7F800000 : f32
      %broadcast_in_dim3A_203 = vector.broadcast %jit3A_202 : f32 to vector<528x128xf32>
      %select_n3A_204 = arith.select %eq3A_201, %broadcast_in_dim3A_203, %select_n3A_188 : vector<528x128xi1>, vector<528x128xf32>
      %reduce_min3A_205 = arith.constant dense<0x7F800000> : vector<128xf32>
      %reduce_min3A_206 = vector.multi_reduction <minimumf>, %select_n3A_204, %reduce_min3A_205 [0] : vector<528x128xf32> to vector<128xf32>
      %broadcast_in_dim3A_207 = vector.shape_cast %reduce_min3A_206 : vector<128xf32> to vector<1x128xf32>
      %eq3A_208 = vector.broadcast %broadcast_in_dim3A_207 : vector<1x128xf32> to vector<528x128xf32>
      %eq3A_209 = arith.cmpf oeq, %select_n3A_204, %eq3A_208 : vector<528x128xf32>
      %jit3A_210 = arith.constant 0x4C000000 : f32
      %broadcast_in_dim3A_211 = vector.broadcast %jit3A_210 : f32 to vector<528x128xf32>
      %select_n3A_212 = arith.select %eq3A_209, %concatenate3A_61, %broadcast_in_dim3A_211 : vector<528x128xi1>, vector<528x128xf32>
      %reduce_min3A_213 = arith.constant dense<0x7F800000> : vector<128xf32>
      %reduce_min3A_214 = vector.multi_reduction <minimumf>, %select_n3A_212, %reduce_min3A_213 [0] : vector<528x128xf32> to vector<128xf32>
      %broadcast_in_dim3A_215 = vector.shape_cast %reduce_min3A_214 : vector<128xf32> to vector<1x128xf32>
      %eq3A_216 = vector.broadcast %broadcast_in_dim3A_215 : vector<1x128xf32> to vector<528x128xf32>
      %eq3A_217 = arith.cmpf oeq, %concatenate3A_61, %eq3A_216 : vector<528x128xf32>
      %jit3A_218 = arith.constant 0x7F800000 : f32
      %broadcast_in_dim3A_219 = vector.broadcast %jit3A_218 : f32 to vector<528x128xf32>
      %select_n3A_220 = arith.select %eq3A_217, %broadcast_in_dim3A_219, %select_n3A_204 : vector<528x128xi1>, vector<528x128xf32>
      %reduce_min3A_221 = arith.constant dense<0x7F800000> : vector<128xf32>
      %reduce_min3A_222 = vector.multi_reduction <minimumf>, %select_n3A_220, %reduce_min3A_221 [0] : vector<528x128xf32> to vector<128xf32>
      %broadcast_in_dim3A_223 = vector.shape_cast %reduce_min3A_222 : vector<128xf32> to vector<1x128xf32>
      %eq3A_224 = vector.broadcast %broadcast_in_dim3A_223 : vector<1x128xf32> to vector<528x128xf32>
      %eq3A_225 = arith.cmpf oeq, %select_n3A_220, %eq3A_224 : vector<528x128xf32>
      %jit3A_226 = arith.constant 0x4C000000 : f32
      %broadcast_in_dim3A_227 = vector.broadcast %jit3A_226 : f32 to vector<528x128xf32>
      %select_n3A_228 = arith.select %eq3A_225, %concatenate3A_61, %broadcast_in_dim3A_227 : vector<528x128xi1>, vector<528x128xf32>
      %reduce_min3A_229 = arith.constant dense<0x7F800000> : vector<128xf32>
      %reduce_min3A_230 = vector.multi_reduction <minimumf>, %select_n3A_228, %reduce_min3A_229 [0] : vector<528x128xf32> to vector<128xf32>
      %broadcast_in_dim3A_231 = vector.shape_cast %reduce_min3A_230 : vector<128xf32> to vector<1x128xf32>
      %eq3A_232 = vector.broadcast %broadcast_in_dim3A_231 : vector<1x128xf32> to vector<528x128xf32>
      %eq3A_233 = arith.cmpf oeq, %concatenate3A_61, %eq3A_232 : vector<528x128xf32>
      %jit3A_234 = arith.constant 0x7F800000 : f32
      %broadcast_in_dim3A_235 = vector.broadcast %jit3A_234 : f32 to vector<528x128xf32>
      %select_n3A_236 = arith.select %eq3A_233, %broadcast_in_dim3A_235, %select_n3A_220 : vector<528x128xi1>, vector<528x128xf32>
      %reduce_min3A_237 = arith.constant dense<0x7F800000> : vector<128xf32>
      %reduce_min3A_238 = vector.multi_reduction <minimumf>, %select_n3A_236, %reduce_min3A_237 [0] : vector<528x128xf32> to vector<128xf32>
      %broadcast_in_dim3A_239 = vector.shape_cast %reduce_min3A_238 : vector<128xf32> to vector<1x128xf32>
      %eq3A_240 = vector.broadcast %broadcast_in_dim3A_239 : vector<1x128xf32> to vector<528x128xf32>
      %eq3A_241 = arith.cmpf oeq, %select_n3A_236, %eq3A_240 : vector<528x128xf32>
      %jit3A_242 = arith.constant 0x4C000000 : f32
      %broadcast_in_dim3A_243 = vector.broadcast %jit3A_242 : f32 to vector<528x128xf32>
      %select_n3A_244 = arith.select %eq3A_241, %concatenate3A_61, %broadcast_in_dim3A_243 : vector<528x128xi1>, vector<528x128xf32>
      %reduce_min3A_245 = arith.constant dense<0x7F800000> : vector<128xf32>
      %reduce_min3A_246 = vector.multi_reduction <minimumf>, %select_n3A_244, %reduce_min3A_245 [0] : vector<528x128xf32> to vector<128xf32>
      %broadcast_in_dim3A_247 = vector.shape_cast %reduce_min3A_246 : vector<128xf32> to vector<1x128xf32>
      %eq3A_248 = vector.broadcast %broadcast_in_dim3A_247 : vector<1x128xf32> to vector<528x128xf32>
      %eq3A_249 = arith.cmpf oeq, %concatenate3A_61, %eq3A_248 : vector<528x128xf32>
      %jit3A_250 = arith.constant 0x7F800000 : f32
      %broadcast_in_dim3A_251 = vector.broadcast %jit3A_250 : f32 to vector<528x128xf32>
      %select_n3A_252 = arith.select %eq3A_249, %broadcast_in_dim3A_251, %select_n3A_236 : vector<528x128xi1>, vector<528x128xf32>
      %reduce_min3A_253 = arith.constant dense<0x7F800000> : vector<128xf32>
      %reduce_min3A_254 = vector.multi_reduction <minimumf>, %select_n3A_252, %reduce_min3A_253 [0] : vector<528x128xf32> to vector<128xf32>
      %broadcast_in_dim3A_255 = vector.shape_cast %reduce_min3A_254 : vector<128xf32> to vector<1x128xf32>
      %eq3A_256 = vector.broadcast %broadcast_in_dim3A_255 : vector<1x128xf32> to vector<528x128xf32>
      %eq3A_257 = arith.cmpf oeq, %select_n3A_252, %eq3A_256 : vector<528x128xf32>
      %jit3A_258 = arith.constant 0x4C000000 : f32
      %broadcast_in_dim3A_259 = vector.broadcast %jit3A_258 : f32 to vector<528x128xf32>
      %select_n3A_260 = arith.select %eq3A_257, %concatenate3A_61, %broadcast_in_dim3A_259 : vector<528x128xi1>, vector<528x128xf32>
      %reduce_min3A_261 = arith.constant dense<0x7F800000> : vector<128xf32>
      %reduce_min3A_262 = vector.multi_reduction <minimumf>, %select_n3A_260, %reduce_min3A_261 [0] : vector<528x128xf32> to vector<128xf32>
      %broadcast_in_dim3A_263 = vector.shape_cast %reduce_min3A_262 : vector<128xf32> to vector<1x128xf32>
      %eq3A_264 = vector.broadcast %broadcast_in_dim3A_263 : vector<1x128xf32> to vector<528x128xf32>
      %eq3A_265 = arith.cmpf oeq, %concatenate3A_61, %eq3A_264 : vector<528x128xf32>
      %jit3A_266 = arith.constant 0x7F800000 : f32
      %broadcast_in_dim3A_267 = vector.broadcast %jit3A_266 : f32 to vector<528x128xf32>
      %select_n3A_268 = arith.select %eq3A_265, %broadcast_in_dim3A_267, %select_n3A_252 : vector<528x128xi1>, vector<528x128xf32>
      %reduce_min3A_269 = arith.constant dense<0x7F800000> : vector<128xf32>
      %reduce_min3A_270 = vector.multi_reduction <minimumf>, %select_n3A_268, %reduce_min3A_269 [0] : vector<528x128xf32> to vector<128xf32>
      %broadcast_in_dim3A_271 = vector.shape_cast %reduce_min3A_270 : vector<128xf32> to vector<1x128xf32>
      %eq3A_272 = vector.broadcast %broadcast_in_dim3A_271 : vector<1x128xf32> to vector<528x128xf32>
      %eq3A_273 = arith.cmpf oeq, %select_n3A_268, %eq3A_272 : vector<528x128xf32>
      %jit3A_274 = arith.constant 0x4C000000 : f32
      %broadcast_in_dim3A_275 = vector.broadcast %jit3A_274 : f32 to vector<528x128xf32>
      %select_n3A_276 = arith.select %eq3A_273, %concatenate3A_61, %broadcast_in_dim3A_275 : vector<528x128xi1>, vector<528x128xf32>
      %reduce_min3A_277 = arith.constant dense<0x7F800000> : vector<128xf32>
      %reduce_min3A_278 = vector.multi_reduction <minimumf>, %select_n3A_276, %reduce_min3A_277 [0] : vector<528x128xf32> to vector<128xf32>
      %broadcast_in_dim3A_279 = vector.shape_cast %reduce_min3A_278 : vector<128xf32> to vector<1x128xf32>
      %eq3A_280 = vector.broadcast %broadcast_in_dim3A_279 : vector<1x128xf32> to vector<528x128xf32>
      %eq3A_281 = arith.cmpf oeq, %concatenate3A_61, %eq3A_280 : vector<528x128xf32>
      %jit3A_282 = arith.constant 0x7F800000 : f32
      %broadcast_in_dim3A_283 = vector.broadcast %jit3A_282 : f32 to vector<528x128xf32>
      %select_n3A_284 = arith.select %eq3A_281, %broadcast_in_dim3A_283, %select_n3A_268 : vector<528x128xi1>, vector<528x128xf32>
      %reduce_min3A_285 = arith.constant dense<0x7F800000> : vector<128xf32>
      %reduce_min3A_286 = vector.multi_reduction <minimumf>, %select_n3A_284, %reduce_min3A_285 [0] : vector<528x128xf32> to vector<128xf32>
      %broadcast_in_dim3A_287 = vector.shape_cast %reduce_min3A_286 : vector<128xf32> to vector<1x128xf32>
      %eq3A_288 = vector.broadcast %broadcast_in_dim3A_287 : vector<1x128xf32> to vector<528x128xf32>
      %eq3A_289 = arith.cmpf oeq, %select_n3A_284, %eq3A_288 : vector<528x128xf32>
      %jit3A_290 = arith.constant 0x4C000000 : f32
      %broadcast_in_dim3A_291 = vector.broadcast %jit3A_290 : f32 to vector<528x128xf32>
      %select_n3A_292 = arith.select %eq3A_289, %concatenate3A_61, %broadcast_in_dim3A_291 : vector<528x128xi1>, vector<528x128xf32>
      %reduce_min3A_293 = arith.constant dense<0x7F800000> : vector<128xf32>
      %reduce_min3A_294 = vector.multi_reduction <minimumf>, %select_n3A_292, %reduce_min3A_293 [0] : vector<528x128xf32> to vector<128xf32>
      %broadcast_in_dim3A_295 = vector.shape_cast %reduce_min3A_294 : vector<128xf32> to vector<1x128xf32>
      %eq3A_296 = vector.broadcast %broadcast_in_dim3A_295 : vector<1x128xf32> to vector<528x128xf32>
      %eq3A_297 = arith.cmpf oeq, %concatenate3A_61, %eq3A_296 : vector<528x128xf32>
      %jit3A_298 = arith.constant 0x7F800000 : f32
      %broadcast_in_dim3A_299 = vector.broadcast %jit3A_298 : f32 to vector<528x128xf32>
      %select_n3A_300 = arith.select %eq3A_297, %broadcast_in_dim3A_299, %select_n3A_284 : vector<528x128xi1>, vector<528x128xf32>
      %reduce_min3A_301 = arith.constant dense<0x7F800000> : vector<128xf32>
      %reduce_min3A_302 = vector.multi_reduction <minimumf>, %select_n3A_300, %reduce_min3A_301 [0] : vector<528x128xf32> to vector<128xf32>
      %broadcast_in_dim3A_303 = vector.shape_cast %reduce_min3A_302 : vector<128xf32> to vector<1x128xf32>
      %eq3A_304 = vector.broadcast %broadcast_in_dim3A_303 : vector<1x128xf32> to vector<528x128xf32>
      %eq3A_305 = arith.cmpf oeq, %select_n3A_300, %eq3A_304 : vector<528x128xf32>
      %jit3A_306 = arith.constant 0x4C000000 : f32
      %broadcast_in_dim3A_307 = vector.broadcast %jit3A_306 : f32 to vector<528x128xf32>
      %select_n3A_308 = arith.select %eq3A_305, %concatenate3A_61, %broadcast_in_dim3A_307 : vector<528x128xi1>, vector<528x128xf32>
      %reduce_min3A_309 = arith.constant dense<0x7F800000> : vector<128xf32>
      %reduce_min3A_310 = vector.multi_reduction <minimumf>, %select_n3A_308, %reduce_min3A_309 [0] : vector<528x128xf32> to vector<128xf32>
      %broadcast_in_dim3A_311 = vector.shape_cast %reduce_min3A_310 : vector<128xf32> to vector<1x128xf32>
      %concatenate3A_312 = tpu.concatenate %broadcast_in_dim3A_63, %broadcast_in_dim3A_79, %broadcast_in_dim3A_95, %broadcast_in_dim3A_111, %broadcast_in_dim3A_127, %broadcast_in_dim3A_143, %broadcast_in_dim3A_159, %broadcast_in_dim3A_175, %broadcast_in_dim3A_191, %broadcast_in_dim3A_207, %broadcast_in_dim3A_223, %broadcast_in_dim3A_239, %broadcast_in_dim3A_255, %broadcast_in_dim3A_271, %broadcast_in_dim3A_287, %broadcast_in_dim3A_303 in 0 : vector<1x128xf32>, vector<1x128xf32>, vector<1x128xf32>, vector<1x128xf32>, vector<1x128xf32>, vector<1x128xf32>, vector<1x128xf32>, vector<1x128xf32>, vector<1x128xf32>, vector<1x128xf32>, vector<1x128xf32>, vector<1x128xf32>, vector<1x128xf32>, vector<1x128xf32>, vector<1x128xf32>, vector<1x128xf32> -> vector<16x128xf32>
      %concatenate3A_313 = tpu.concatenate %broadcast_in_dim3A_71, %broadcast_in_dim3A_87, %broadcast_in_dim3A_103, %broadcast_in_dim3A_119, %broadcast_in_dim3A_135, %broadcast_in_dim3A_151, %broadcast_in_dim3A_167, %broadcast_in_dim3A_183, %broadcast_in_dim3A_199, %broadcast_in_dim3A_215, %broadcast_in_dim3A_231, %broadcast_in_dim3A_247, %broadcast_in_dim3A_263, %broadcast_in_dim3A_279, %broadcast_in_dim3A_295, %broadcast_in_dim3A_311 in 0 : vector<1x128xf32>, vector<1x128xf32>, vector<1x128xf32>, vector<1x128xf32>, vector<1x128xf32>, vector<1x128xf32>, vector<1x128xf32>, vector<1x128xf32>, vector<1x128xf32>, vector<1x128xf32>, vector<1x128xf32>, vector<1x128xf32>, vector<1x128xf32>, vector<1x128xf32>, vector<1x128xf32>, vector<1x128xf32> -> vector<16x128xf32>
      scf.yield %concatenate3A_312, %concatenate3A_313 : vector<16x128xf32>, vector<16x128xf32>
    }
    %min3A = arith.constant 1.023900e+04 : f32
    %min3A_28 = vector.broadcast %min3A : f32 to vector<16x128xf32>
    %min3A_29 = arith.minimumf %while3A_27#1, %min3A_28 : vector<16x128xf32>
    %convert_element_type3A = arith.fptosi %min3A_29 : vector<16x128xf32> to vector<16x128xi32>
    %swap3A = arith.constant 0 : index
    %swap3A_30 = arith.constant 0 : index
    %swap3A_31 = vector.load %arg7[%swap3A, %swap3A_30] : memref<16x128xi32, #tpu.memory_space<vmem>>, vector<16x128xi32>
    tpu.vector_store %arg7[%swap3A, %swap3A_30], %convert_element_type3A {strides = array<i32>} : memref<16x128xi32, #tpu.memory_space<vmem>>, vector<16x128xi32>,
    return
  }
  func.func @transform_0(%arg0: i32) -> (i32, i32) {
    %c0_i32 = arith.constant 0 : i32
    %c0_i32_0 = arith.constant 0 : i32
    %c0_i32_1 = arith.constant 0 : i32
    return %c0_i32, %c0_i32_0 : i32, i32
  }
  func.func @transform_1(%arg0: i32) -> (i32, i32) {
    %c0_i32 = arith.constant 0 : i32
    %c0_i32_0 = arith.constant 0 : i32
    %c0_i32_1 = arith.constant 0 : i32
    return %c0_i32, %c0_i32_0 : i32, i32
  }
  func.func @transform_2(%arg0: i32) -> (i32, i32) {
    %c0_i32 = arith.constant 0 : i32
    %c0_i32_0 = arith.constant 0 : i32
    %c0_i32_1 = arith.constant 0 : i32
    return %c0_i32, %c0_i32_0 : i32, i32
  }
  func.func @transform_3(%arg0: i32) -> (i32, i32) {
    %c0_i32 = arith.constant 0 : i32
    %c0_i32_0 = arith.constant 0 : i32
    %c0_i32_1 = arith.constant 0 : i32
    return %c0_i32, %c0_i32_0 : i32, i32
  }
  func.func @transform_4(%arg0: i32) -> (i32, i32) {
    %c0_i32 = arith.constant 0 : i32
    %c0_i32_0 = arith.constant 0 : i32
    %c0_i32_1 = arith.constant 0 : i32
    return %c0_i32, %c0_i32_0 : i32, i32
  }
  func.func @transform_5(%arg0: i32) -> (i32, i32) {
    %c0_i32 = arith.constant 0 : i32
    %c0_i32_0 = arith.constant 0 : i32
    %c0_i32_1 = arith.constant 0 : i32
    return %c0_i32, %c0_i32_0 : i32, i32
  }
  func.func @transform_6(%arg0: i32) -> (i32, i32) {
    %c0_i32 = arith.constant 0 : i32
    %c0_i32_0 = arith.constant 0 : i32
    return %c0_i32, %arg0 : i32, i32
  }
}

module attributes {stable_mosaic.version = 14 : i64} {
  func.func @_edgemm_body(%arg0: i32, %arg1: memref<128x16x128xf32, #tpu.memory_space<vmem>>, %arg2: memref<256x128xf32, #tpu.memory_space<vmem>>, %arg3: memref<128x128xf32, #tpu.memory_space<vmem>>, %arg4: memref<128x128xf32, #tpu.memory_space<vmem>>, %arg5: memref<8x128xf32, #tpu.memory_space<vmem>>) attributes {dimension_semantics = [#tpu.dimension_semantics<arbitrary>], iteration_bounds = array<i64: 80>, scalar_prefetch = 0 : i64, scratch_operands = 0 : i64, tpu.core_type = #tpu.core_type<tc>, window_params = [{transform_indices = @transform_0, window_bounds = array<i64: 128, 16, 128>}, {pipeline_mode = #tpu.pipeline_mode<synchronous>, transform_indices = @transform_1, window_bounds = array<i64: 256, 128>}, {transform_indices = @transform_2, window_bounds = array<i64: 128, 128>}, {transform_indices = @transform_3, window_bounds = array<i64: 128, 128>}, {pipeline_mode = #tpu.pipeline_mode<synchronous>, transform_indices = @transform_4, window_bounds = array<i64: 8, 128>}]} {
    %get3A = arith.constant 0 : index
    %get3A_0 = arith.constant 0 : index
    %get3A_1 = vector.load %arg3[%get3A, %get3A_0] : memref<128x128xf32, #tpu.memory_space<vmem>>, vector<128x128xf32>
    %broadcast_in_dim3A = vector.shape_cast %get3A_1 : vector<128x128xf32> to vector<128x1x128xf32>
    %broadcast_in_dim3A_2 = vector.shape_cast %broadcast_in_dim3A : vector<128x1x128xf32> to vector<128x1x128xf32>
    %broadcast_in_dim3A_3 = vector.broadcast %broadcast_in_dim3A_2 : vector<128x1x128xf32> to vector<128x16x128xf32>
    %get3A_4 = arith.constant 0 : index
    %get3A_5 = arith.constant 0 : index
    %get3A_6 = arith.constant 0 : index
    %get3A_7 = vector.load %arg1[%get3A_4, %get3A_5, %get3A_6] : memref<128x16x128xf32, #tpu.memory_space<vmem>>, vector<128x16x128xf32>
    %sub3A = vector.broadcast %broadcast_in_dim3A : vector<128x1x128xf32> to vector<128x16x128xf32>
    %sub3A_8 = arith.subf %get3A_7, %sub3A : vector<128x16x128xf32>
    %concatenate3A = tpu.concatenate %broadcast_in_dim3A_3, %sub3A_8 in 2 : vector<128x16x128xf32>, vector<128x16x128xf32> -> vector<128x16x256xf32>
    %reshape3A = vector.shape_cast %concatenate3A : vector<128x16x256xf32> to vector<2048x256xf32>
    %get3A_9 = arith.constant 0 : index
    %get3A_10 = arith.constant 0 : index
    %get3A_11 = vector.load %arg2[%get3A_9, %get3A_10] : memref<256x128xf32, #tpu.memory_space<vmem>>, vector<256x128xf32>
    %dot_general3A = arith.constant dense<0.000000e+00> : vector<2048x128xf32>
    %dot_general3A_12 = tpu.matmul %reshape3A, %get3A_11, %dot_general3A {dimension_numbers = #tpu.dot_dimension_numbers<[1], [0], [0], [1], [0, 0, 1, 1], [], []>, transpose_lhs_hint = false} : vector<2048x256xf32>, vector<256x128xf32>, vector<2048x128xf32> -> vector<2048x128xf32>
    %reshape3A_13 = vector.shape_cast %dot_general3A_12 : vector<2048x128xf32> to vector<128x16x128xf32>
    %reduce_max3A = arith.constant dense<0xFF800000> : vector<128x128xf32>
    %reduce_max3A_14 = vector.multi_reduction <maximumf>, %reshape3A_13, %reduce_max3A [1] : vector<128x16x128xf32> to vector<128x128xf32>
    %reduce_sum3A = arith.constant dense<0.000000e+00> : vector<128x128xf32>
    %reduce_sum3A_15 = vector.multi_reduction <add>, %reshape3A_13, %reduce_sum3A [1] : vector<128x16x128xf32> to vector<128x128xf32>
    %mul3A = arith.mulf %reshape3A_13, %reshape3A_13 : vector<128x16x128xf32>
    %reduce_sum3A_16 = arith.constant dense<0.000000e+00> : vector<128x128xf32>
    %reduce_sum3A_17 = vector.multi_reduction <add>, %mul3A, %reduce_sum3A_16 [1] : vector<128x16x128xf32> to vector<128x128xf32>
    %swap3A = arith.constant 0 : index
    %swap3A_18 = arith.constant 0 : index
    %swap3A_19 = vector.load %arg4[%swap3A, %swap3A_18] : memref<128x128xf32, #tpu.memory_space<vmem>>, vector<128x128xf32>
    tpu.vector_store %arg4[%swap3A, %swap3A_18], %reduce_max3A_14 {strides = array<i32>} : memref<128x128xf32, #tpu.memory_space<vmem>>, vector<128x128xf32>,
    %mul3A_20 = arith.constant 128 : i32
    %mul3A_21 = arith.muli %arg0, %mul3A_20 : i32
    %iota3A = tpu.iota {dimensions = array<i32: 0>} : vector<128x1xi32>
    %add3A = vector.broadcast %mul3A_21 : i32 to vector<128x1xi32>
    %add3A_22 = arith.addi %add3A, %iota3A : vector<128x1xi32>
    %lt3A = arith.constant 10000 : i32
    %lt3A_23 = vector.broadcast %lt3A : i32 to vector<128x1xi32>
    %lt3A_24 = arith.cmpi slt, %add3A_22, %lt3A_23 : vector<128x1xi32>
    %jit3A = arith.constant 0.000000e+00 : f32
    %broadcast_in_dim3A_25 = vector.shape_cast %lt3A_24 : vector<128x1xi1> to vector<128x1xi1>
    %broadcast_in_dim3A_26 = vector.broadcast %broadcast_in_dim3A_25 : vector<128x1xi1> to vector<128x128xi1>
    %broadcast_in_dim3A_27 = vector.broadcast %jit3A : f32 to vector<128x128xf32>
    %select_n3A = arith.select %broadcast_in_dim3A_26, %reduce_sum3A_15, %broadcast_in_dim3A_27 : vector<128x128xi1>, vector<128x128xf32>
    %reduce_sum3A_28 = arith.constant dense<0.000000e+00> : vector<128xf32>
    %reduce_sum3A_29 = vector.multi_reduction <add>, %select_n3A, %reduce_sum3A_28 [0] : vector<128x128xf32> to vector<128xf32>
    %broadcast_in_dim3A_30 = vector.shape_cast %reduce_sum3A_29 : vector<128xf32> to vector<1x128xf32>
    %jit3A_31 = arith.constant 0.000000e+00 : f32
    %broadcast_in_dim3A_32 = vector.shape_cast %lt3A_24 : vector<128x1xi1> to vector<128x1xi1>
    %broadcast_in_dim3A_33 = vector.broadcast %broadcast_in_dim3A_32 : vector<128x1xi1> to vector<128x128xi1>
    %broadcast_in_dim3A_34 = vector.broadcast %jit3A_31 : f32 to vector<128x128xf32>
    %select_n3A_35 = arith.select %broadcast_in_dim3A_33, %reduce_sum3A_17, %broadcast_in_dim3A_34 : vector<128x128xi1>, vector<128x128xf32>
    %reduce_sum3A_36 = arith.constant dense<0.000000e+00> : vector<128xf32>
    %reduce_sum3A_37 = vector.multi_reduction <add>, %select_n3A_35, %reduce_sum3A_36 [0] : vector<128x128xf32> to vector<128xf32>
    %broadcast_in_dim3A_38 = vector.shape_cast %reduce_sum3A_37 : vector<128xf32> to vector<1x128xf32>
    %eq3A = arith.constant 0 : i32
    %eq3A_39 = arith.cmpi eq, %arg0, %eq3A : i32
    %convert_element_type3A = arith.extui %eq3A_39 : i1 to i32
    %cond3A = arith.constant 0 : i32
    %cond3A_40 = arith.cmpi ne, %convert_element_type3A, %cond3A : i32
    scf.if %cond3A_40 {
      %broadcast_in_dim3A_55 = arith.constant 0.000000e+00 : f32
      %broadcast_in_dim3A_56 = vector.broadcast %broadcast_in_dim3A_55 : f32 to vector<8x128xf32>
      %swap3A_57 = arith.constant 0 : index
      %swap3A_58 = arith.constant 0 : index
      %swap3A_59 = vector.load %arg5[%swap3A_57, %swap3A_58] : memref<8x128xf32, #tpu.memory_space<vmem>>, vector<8x128xf32>
      tpu.vector_store %arg5[%swap3A_57, %swap3A_58], %broadcast_in_dim3A_56 {strides = array<i32>} : memref<8x128xf32, #tpu.memory_space<vmem>>, vector<8x128xf32>,
    } else {
    }
    %get3A_41 = arith.constant 0 : index
    %get3A_42 = arith.constant 0 : index
    %get3A_43 = vector.load %arg5[%get3A_41, %get3A_42] : memref<8x128xf32, #tpu.memory_space<vmem>>, vector<1x128xf32>
    %add3A_44 = arith.addf %get3A_43, %broadcast_in_dim3A_30 : vector<1x128xf32>
    %swap3A_45 = arith.constant 0 : index
    %swap3A_46 = arith.constant 0 : index
    %swap3A_47 = vector.load %arg5[%swap3A_45, %swap3A_46] : memref<8x128xf32, #tpu.memory_space<vmem>>, vector<1x128xf32>
    tpu.vector_store %arg5[%swap3A_45, %swap3A_46], %add3A_44 {strides = array<i32>} : memref<8x128xf32, #tpu.memory_space<vmem>>, vector<1x128xf32>,
    %get3A_48 = arith.constant 1 : index
    %get3A_49 = arith.constant 0 : index
    %get3A_50 = vector.load %arg5[%get3A_48, %get3A_49] : memref<8x128xf32, #tpu.memory_space<vmem>>, vector<1x128xf32>
    %add3A_51 = arith.addf %get3A_50, %broadcast_in_dim3A_38 : vector<1x128xf32>
    %swap3A_52 = arith.constant 1 : index
    %swap3A_53 = arith.constant 0 : index
    %swap3A_54 = vector.load %arg5[%swap3A_52, %swap3A_53] : memref<8x128xf32, #tpu.memory_space<vmem>>, vector<1x128xf32>
    tpu.vector_store %arg5[%swap3A_52, %swap3A_53], %add3A_51 {strides = array<i32>} : memref<8x128xf32, #tpu.memory_space<vmem>>, vector<1x128xf32>,
    return
  }
  func.func @transform_0(%arg0: i32) -> (i32, i32, i32) {
    %c0_i32 = arith.constant 0 : i32
    %c0_i32_0 = arith.constant 0 : i32
    %c0_i32_1 = arith.constant 0 : i32
    return %arg0, %c0_i32, %c0_i32_0 : i32, i32, i32
  }
  func.func @transform_1(%arg0: i32) -> (i32, i32) {
    %c0_i32 = arith.constant 0 : i32
    %c0_i32_0 = arith.constant 0 : i32
    %c0_i32_1 = arith.constant 0 : i32
    return %c0_i32, %c0_i32_0 : i32, i32
  }
  func.func @transform_2(%arg0: i32) -> (i32, i32) {
    %c0_i32 = arith.constant 0 : i32
    %c0_i32_0 = arith.constant 0 : i32
    return %arg0, %c0_i32 : i32, i32
  }
  func.func @transform_3(%arg0: i32) -> (i32, i32) {
    %c0_i32 = arith.constant 0 : i32
    %c0_i32_0 = arith.constant 0 : i32
    return %arg0, %c0_i32 : i32, i32
  }
  func.func @transform_4(%arg0: i32) -> (i32, i32) {
    %c0_i32 = arith.constant 0 : i32
    %c0_i32_0 = arith.constant 0 : i32
    %c0_i32_1 = arith.constant 0 : i32
    return %c0_i32, %c0_i32_0 : i32, i32
  }
}

module attributes {stable_mosaic.version = 14 : i64} {
  func.func @_edge_body(%arg0: i32, %arg1: memref<128x128xf32, #tpu.memory_space<vmem>>, %arg2: memref<8x128xf32, #tpu.memory_space<vmem>>, %arg3: memref<8x128xf32, #tpu.memory_space<vmem>>, %arg4: memref<8x128xf32, #tpu.memory_space<vmem>>, %arg5: memref<128x128xf32, #tpu.memory_space<vmem>>, %arg6: memref<8x128xf32, #tpu.memory_space<vmem>>) attributes {dimension_semantics = [#tpu.dimension_semantics<arbitrary>], iteration_bounds = array<i64: 80>, scalar_prefetch = 0 : i64, scratch_operands = 0 : i64, tpu.core_type = #tpu.core_type<tc>, window_params = [{transform_indices = @transform_0, window_bounds = array<i64: 128, 128>}, {pipeline_mode = #tpu.pipeline_mode<synchronous>, transform_indices = @transform_1, window_bounds = array<i64: 8, 128>}, {pipeline_mode = #tpu.pipeline_mode<synchronous>, transform_indices = @transform_2, window_bounds = array<i64: 8, 128>}, {pipeline_mode = #tpu.pipeline_mode<synchronous>, transform_indices = @transform_3, window_bounds = array<i64: 8, 128>}, {transform_indices = @transform_4, window_bounds = array<i64: 128, 128>}, {pipeline_mode = #tpu.pipeline_mode<synchronous>, transform_indices = @transform_5, window_bounds = array<i64: 8, 128>}]} {
    %mul3A = arith.constant 128 : i32
    %mul3A_0 = arith.muli %arg0, %mul3A : i32
    %iota3A = tpu.iota {dimensions = array<i32: 0>} : vector<128x1xi32>
    %add3A = vector.broadcast %mul3A_0 : i32 to vector<128x1xi32>
    %add3A_1 = arith.addi %add3A, %iota3A : vector<128x1xi32>
    %lt3A = arith.constant 10000 : i32
    %lt3A_2 = vector.broadcast %lt3A : i32 to vector<128x1xi32>
    %lt3A_3 = arith.cmpi slt, %add3A_1, %lt3A_2 : vector<128x1xi32>
    %get3A = arith.constant 0 : index
    %get3A_4 = arith.constant 0 : index
    %get3A_5 = vector.load %arg2[%get3A, %get3A_4] : memref<8x128xf32, #tpu.memory_space<vmem>>, vector<1x128xf32>
    %div3A = arith.constant 1.600000e+05 : f32
    %div3A_6 = vector.broadcast %div3A : f32 to vector<1x128xf32>
    %div3A_7 = arith.divf %get3A_5, %div3A_6 : vector<1x128xf32>
    %get3A_8 = arith.constant 1 : index
    %get3A_9 = arith.constant 0 : index
    %get3A_10 = vector.load %arg2[%get3A_8, %get3A_9] : memref<8x128xf32, #tpu.memory_space<vmem>>, vector<1x128xf32>
    %div3A_11 = arith.constant 1.600000e+05 : f32
    %div3A_12 = vector.broadcast %div3A_11 : f32 to vector<1x128xf32>
    %div3A_13 = arith.divf %get3A_10, %div3A_12 : vector<1x128xf32>
    %mul3A_14 = arith.mulf %div3A_7, %div3A_7 : vector<1x128xf32>
    %sub3A = arith.subf %div3A_13, %mul3A_14 : vector<1x128xf32>
    %get3A_15 = arith.constant 0 : index
    %get3A_16 = arith.constant 0 : index
    %get3A_17 = vector.load %arg3[%get3A_15, %get3A_16] : memref<8x128xf32, #tpu.memory_space<vmem>>, vector<1x128xf32>
    %add3A_18 = arith.constant 9.99999974E-6 : f32
    %add3A_19 = vector.broadcast %add3A_18 : f32 to vector<1x128xf32>
    %add3A_20 = arith.addf %sub3A, %add3A_19 : vector<1x128xf32>
    %rsqrt3A = math.rsqrt %add3A_20 : vector<1x128xf32>
    %mul3A_21 = arith.mulf %get3A_17, %rsqrt3A : vector<1x128xf32>
    %get3A_22 = arith.constant 0 : index
    %get3A_23 = arith.constant 0 : index
    %get3A_24 = vector.load %arg1[%get3A_22, %get3A_23] : memref<128x128xf32, #tpu.memory_space<vmem>>, vector<128x128xf32>
    %sub3A_25 = vector.broadcast %div3A_7 : vector<1x128xf32> to vector<128x128xf32>
    %sub3A_26 = arith.subf %get3A_24, %sub3A_25 : vector<128x128xf32>
    %mul3A_27 = vector.broadcast %mul3A_21 : vector<1x128xf32> to vector<128x128xf32>
    %mul3A_28 = arith.mulf %sub3A_26, %mul3A_27 : vector<128x128xf32>
    %get3A_29 = arith.constant 0 : index
    %get3A_30 = arith.constant 0 : index
    %get3A_31 = vector.load %arg4[%get3A_29, %get3A_30] : memref<8x128xf32, #tpu.memory_space<vmem>>, vector<1x128xf32>
    %add3A_32 = vector.broadcast %get3A_31 : vector<1x128xf32> to vector<128x128xf32>
    %add3A_33 = arith.addf %mul3A_28, %add3A_32 : vector<128x128xf32>
    %gt3A = arith.constant 0.000000e+00 : f32
    %gt3A_34 = vector.broadcast %gt3A : f32 to vector<128x128xf32>
    %gt3A_35 = arith.cmpf ogt, %add3A_33, %gt3A_34 : vector<128x128xf32>
    %mul3A_36 = arith.constant 2.000000e-01 : f32
    %mul3A_37 = vector.broadcast %mul3A_36 : f32 to vector<128x128xf32>
    %mul3A_38 = arith.mulf %mul3A_37, %add3A_33 : vector<128x128xf32>
    %select_n3A = arith.select %gt3A_35, %add3A_33, %mul3A_38 : vector<128x128xi1>, vector<128x128xf32>
    %swap3A = arith.constant 0 : index
    %swap3A_39 = arith.constant 0 : index
    %swap3A_40 = vector.load %arg5[%swap3A, %swap3A_39] : memref<128x128xf32, #tpu.memory_space<vmem>>, vector<128x128xf32>
    tpu.vector_store %arg5[%swap3A, %swap3A_39], %select_n3A {strides = array<i32>} : memref<128x128xf32, #tpu.memory_space<vmem>>, vector<128x128xf32>,
    %jit3A = arith.constant 0.000000e+00 : f32
    %broadcast_in_dim3A = vector.shape_cast %lt3A_3 : vector<128x1xi1> to vector<128x1xi1>
    %broadcast_in_dim3A_41 = vector.broadcast %broadcast_in_dim3A : vector<128x1xi1> to vector<128x128xi1>
    %broadcast_in_dim3A_42 = vector.broadcast %jit3A : f32 to vector<128x128xf32>
    %select_n3A_43 = arith.select %broadcast_in_dim3A_41, %select_n3A, %broadcast_in_dim3A_42 : vector<128x128xi1>, vector<128x128xf32>
    %eq3A = arith.constant 0 : i32
    %eq3A_44 = arith.cmpi eq, %arg0, %eq3A : i32
    %convert_element_type3A = arith.extui %eq3A_44 : i1 to i32
    %cond3A = arith.constant 0 : i32
    %cond3A_45 = arith.cmpi ne, %convert_element_type3A, %cond3A : i32
    scf.if %cond3A_45 {
      %broadcast_in_dim3A_66 = arith.constant 0.000000e+00 : f32
      %broadcast_in_dim3A_67 = vector.broadcast %broadcast_in_dim3A_66 : f32 to vector<8x128xf32>
      %swap3A_68 = arith.constant 0 : index
      %swap3A_69 = arith.constant 0 : index
      %swap3A_70 = vector.load %arg6[%swap3A_68, %swap3A_69] : memref<8x128xf32, #tpu.memory_space<vmem>>, vector<8x128xf32>
      tpu.vector_store %arg6[%swap3A_68, %swap3A_69], %broadcast_in_dim3A_67 {strides = array<i32>} : memref<8x128xf32, #tpu.memory_space<vmem>>, vector<8x128xf32>,
    } else {
    }
    %get3A_46 = arith.constant 0 : index
    %get3A_47 = arith.constant 0 : index
    %get3A_48 = vector.load %arg6[%get3A_46, %get3A_47] : memref<8x128xf32, #tpu.memory_space<vmem>>, vector<1x128xf32>
    %reduce_sum3A = arith.constant dense<0.000000e+00> : vector<128xf32>
    %reduce_sum3A_49 = vector.multi_reduction <add>, %select_n3A_43, %reduce_sum3A [0] : vector<128x128xf32> to vector<128xf32>
    %broadcast_in_dim3A_50 = vector.shape_cast %reduce_sum3A_49 : vector<128xf32> to vector<1x128xf32>
    %add3A_51 = arith.addf %get3A_48, %broadcast_in_dim3A_50 : vector<1x128xf32>
    %swap3A_52 = arith.constant 0 : index
    %swap3A_53 = arith.constant 0 : index
    %swap3A_54 = vector.load %arg6[%swap3A_52, %swap3A_53] : memref<8x128xf32, #tpu.memory_space<vmem>>, vector<1x128xf32>
    tpu.vector_store %arg6[%swap3A_52, %swap3A_53], %add3A_51 {strides = array<i32>} : memref<8x128xf32, #tpu.memory_space<vmem>>, vector<1x128xf32>,
    %get3A_55 = arith.constant 1 : index
    %get3A_56 = arith.constant 0 : index
    %get3A_57 = vector.load %arg6[%get3A_55, %get3A_56] : memref<8x128xf32, #tpu.memory_space<vmem>>, vector<1x128xf32>
    %mul3A_58 = arith.mulf %select_n3A_43, %select_n3A_43 : vector<128x128xf32>
    %reduce_sum3A_59 = arith.constant dense<0.000000e+00> : vector<128xf32>
    %reduce_sum3A_60 = vector.multi_reduction <add>, %mul3A_58, %reduce_sum3A_59 [0] : vector<128x128xf32> to vector<128xf32>
    %broadcast_in_dim3A_61 = vector.shape_cast %reduce_sum3A_60 : vector<128xf32> to vector<1x128xf32>
    %add3A_62 = arith.addf %get3A_57, %broadcast_in_dim3A_61 : vector<1x128xf32>
    %swap3A_63 = arith.constant 1 : index
    %swap3A_64 = arith.constant 0 : index
    %swap3A_65 = vector.load %arg6[%swap3A_63, %swap3A_64] : memref<8x128xf32, #tpu.memory_space<vmem>>, vector<1x128xf32>
    tpu.vector_store %arg6[%swap3A_63, %swap3A_64], %add3A_62 {strides = array<i32>} : memref<8x128xf32, #tpu.memory_space<vmem>>, vector<1x128xf32>,
    return
  }
  func.func @transform_0(%arg0: i32) -> (i32, i32) {
    %c0_i32 = arith.constant 0 : i32
    %c0_i32_0 = arith.constant 0 : i32
    return %arg0, %c0_i32 : i32, i32
  }
  func.func @transform_1(%arg0: i32) -> (i32, i32) {
    %c0_i32 = arith.constant 0 : i32
    %c0_i32_0 = arith.constant 0 : i32
    %c0_i32_1 = arith.constant 0 : i32
    return %c0_i32, %c0_i32_0 : i32, i32
  }
  func.func @transform_2(%arg0: i32) -> (i32, i32) {
    %c0_i32 = arith.constant 0 : i32
    %c0_i32_0 = arith.constant 0 : i32
    %c0_i32_1 = arith.constant 0 : i32
    return %c0_i32, %c0_i32_0 : i32, i32
  }
  func.func @transform_3(%arg0: i32) -> (i32, i32) {
    %c0_i32 = arith.constant 0 : i32
    %c0_i32_0 = arith.constant 0 : i32
    %c0_i32_1 = arith.constant 0 : i32
    return %c0_i32, %c0_i32_0 : i32, i32
  }
  func.func @transform_4(%arg0: i32) -> (i32, i32) {
    %c0_i32 = arith.constant 0 : i32
    %c0_i32_0 = arith.constant 0 : i32
    return %arg0, %c0_i32 : i32, i32
  }
  func.func @transform_5(%arg0: i32) -> (i32, i32) {
    %c0_i32 = arith.constant 0 : i32
    %c0_i32_0 = arith.constant 0 : i32
    %c0_i32_1 = arith.constant 0 : i32
    return %c0_i32, %c0_i32_0 : i32, i32
  }
}

module attributes {stable_mosaic.version = 14 : i64} {
  func.func @wrapped(%arg0: i32, %arg1: memref<256x128xf32, #tpu.memory_space<vmem>>, %arg2: memref<8x128xf32, #tpu.memory_space<vmem>>, %arg3: memref<8x128xf32, #tpu.memory_space<vmem>>, %arg4: memref<8x128xf32, #tpu.memory_space<vmem>>, %arg5: memref<256x128xf32, #tpu.memory_space<vmem>>, %arg6: memref<256x1xf32, #tpu.memory_space<vmem>>) attributes {dimension_semantics = [#tpu.dimension_semantics<arbitrary>], iteration_bounds = array<i64: 42>, scalar_prefetch = 0 : i64, scratch_operands = 0 : i64, tpu.core_type = #tpu.core_type<tc>, window_params = [{transform_indices = @transform_0, window_bounds = array<i64: 256, 128>}, {pipeline_mode = #tpu.pipeline_mode<synchronous>, transform_indices = @transform_1, window_bounds = array<i64: 8, 128>}, {pipeline_mode = #tpu.pipeline_mode<synchronous>, transform_indices = @transform_2, window_bounds = array<i64: 8, 128>}, {pipeline_mode = #tpu.pipeline_mode<synchronous>, transform_indices = @transform_3, window_bounds = array<i64: 8, 128>}, {transform_indices = @transform_4, window_bounds = array<i64: 256, 128>}, {transform_indices = @transform_5, window_bounds = array<i64: 256, 1>}]} {
    %get3A = arith.constant 0 : index
    %get3A_0 = arith.constant 0 : index
    %get3A_1 = vector.load %arg1[%get3A, %get3A_0] : memref<256x128xf32, #tpu.memory_space<vmem>>, vector<256x128xf32>
    %get3A_2 = arith.constant 0 : index
    %get3A_3 = arith.constant 0 : index
    %get3A_4 = vector.load %arg2[%get3A_2, %get3A_3] : memref<8x128xf32, #tpu.memory_space<vmem>>, vector<1x128xf32>
    %div3A = arith.constant 1.000000e+04 : f32
    %div3A_5 = vector.broadcast %div3A : f32 to vector<1x128xf32>
    %div3A_6 = arith.divf %get3A_4, %div3A_5 : vector<1x128xf32>
    %get3A_7 = arith.constant 1 : index
    %get3A_8 = arith.constant 0 : index
    %get3A_9 = vector.load %arg2[%get3A_7, %get3A_8] : memref<8x128xf32, #tpu.memory_space<vmem>>, vector<1x128xf32>
    %div3A_10 = arith.constant 1.000000e+04 : f32
    %div3A_11 = vector.broadcast %div3A_10 : f32 to vector<1x128xf32>
    %div3A_12 = arith.divf %get3A_9, %div3A_11 : vector<1x128xf32>
    %mul3A = arith.mulf %div3A_6, %div3A_6 : vector<1x128xf32>
    %sub3A = arith.subf %div3A_12, %mul3A : vector<1x128xf32>
    %sub3A_13 = vector.broadcast %div3A_6 : vector<1x128xf32> to vector<256x128xf32>
    %sub3A_14 = arith.subf %get3A_1, %sub3A_13 : vector<256x128xf32>
    %add3A = arith.constant 9.99999974E-6 : f32
    %add3A_15 = vector.broadcast %add3A : f32 to vector<1x128xf32>
    %add3A_16 = arith.addf %sub3A, %add3A_15 : vector<1x128xf32>
    %rsqrt3A = math.rsqrt %add3A_16 : vector<1x128xf32>
    %mul3A_17 = vector.broadcast %rsqrt3A : vector<1x128xf32> to vector<256x128xf32>
    %mul3A_18 = arith.mulf %sub3A_14, %mul3A_17 : vector<256x128xf32>
    %get3A_19 = arith.constant 0 : index
    %get3A_20 = arith.constant 0 : index
    %get3A_21 = vector.load %arg3[%get3A_19, %get3A_20] : memref<8x128xf32, #tpu.memory_space<vmem>>, vector<1x128xf32>
    %mul3A_22 = vector.broadcast %get3A_21 : vector<1x128xf32> to vector<256x128xf32>
    %mul3A_23 = arith.mulf %mul3A_18, %mul3A_22 : vector<256x128xf32>
    %get3A_24 = arith.constant 0 : index
    %get3A_25 = arith.constant 0 : index
    %get3A_26 = vector.load %arg4[%get3A_24, %get3A_25] : memref<8x128xf32, #tpu.memory_space<vmem>>, vector<1x128xf32>
    %add3A_27 = vector.broadcast %get3A_26 : vector<1x128xf32> to vector<256x128xf32>
    %add3A_28 = arith.addf %mul3A_23, %add3A_27 : vector<256x128xf32>
    %max3A = arith.constant 0.000000e+00 : f32
    %max3A_29 = vector.broadcast %max3A : f32 to vector<256x128xf32>
    %max3A_30 = arith.maximumf %add3A_28, %max3A_29 : vector<256x128xf32>
    %swap3A = arith.constant 0 : index
    %swap3A_31 = arith.constant 0 : index
    %swap3A_32 = vector.load %arg5[%swap3A, %swap3A_31] : memref<256x128xf32, #tpu.memory_space<vmem>>, vector<256x128xf32>
    tpu.vector_store %arg5[%swap3A, %swap3A_31], %max3A_30 {strides = array<i32>} : memref<256x128xf32, #tpu.memory_space<vmem>>, vector<256x128xf32>,
    %mul3A_33 = arith.mulf %max3A_30, %max3A_30 : vector<256x128xf32>
    %reduce_sum3A = arith.constant dense<0.000000e+00> : vector<256xf32>
    %reduce_sum3A_34 = vector.multi_reduction <add>, %mul3A_33, %reduce_sum3A [1] : vector<256x128xf32> to vector<256xf32>
    %broadcast_in_dim3A = vector.shape_cast %reduce_sum3A_34 : vector<256xf32> to vector<256x1xf32>
    %swap3A_35 = arith.constant 0 : index
    %swap3A_36 = arith.constant 0 : index
    %swap3A_37 = vector.load %arg6[%swap3A_35, %swap3A_36] : memref<256x1xf32, #tpu.memory_space<vmem>>, vector<256x1xf32>
    tpu.vector_store %arg6[%swap3A_35, %swap3A_36], %broadcast_in_dim3A {strides = array<i32>} : memref<256x1xf32, #tpu.memory_space<vmem>>, vector<256x1xf32>,
    return
  }
  func.func @transform_0(%arg0: i32) -> (i32, i32) {
    %c0_i32 = arith.constant 0 : i32
    %c0_i32_0 = arith.constant 0 : i32
    return %arg0, %c0_i32 : i32, i32
  }
  func.func @transform_1(%arg0: i32) -> (i32, i32) {
    %c0_i32 = arith.constant 0 : i32
    %c0_i32_0 = arith.constant 0 : i32
    %c0_i32_1 = arith.constant 0 : i32
    return %c0_i32, %c0_i32_0 : i32, i32
  }
  func.func @transform_2(%arg0: i32) -> (i32, i32) {
    %c0_i32 = arith.constant 0 : i32
    %c0_i32_0 = arith.constant 0 : i32
    %c0_i32_1 = arith.constant 0 : i32
    return %c0_i32, %c0_i32_0 : i32, i32
  }
  func.func @transform_3(%arg0: i32) -> (i32, i32) {
    %c0_i32 = arith.constant 0 : i32
    %c0_i32_0 = arith.constant 0 : i32
    %c0_i32_1 = arith.constant 0 : i32
    return %c0_i32, %c0_i32_0 : i32, i32
  }
  func.func @transform_4(%arg0: i32) -> (i32, i32) {
    %c0_i32 = arith.constant 0 : i32
    %c0_i32_0 = arith.constant 0 : i32
    return %arg0, %c0_i32 : i32, i32
  }
  func.func @transform_5(%arg0: i32) -> (i32, i32) {
    %c0_i32 = arith.constant 0 : i32
    %c0_i32_0 = arith.constant 0 : i32
    return %arg0, %c0_i32 : i32, i32
  }
}

module attributes {stable_mosaic.version = 14 : i64} {
  func.func @_final_body(%arg0: i32, %arg1: memref<256x128xf32, #tpu.memory_space<vmem>>, %arg2: memref<8x128xf32, #tpu.memory_space<vmem>>, %arg3: memref<8x128xf32, #tpu.memory_space<vmem>>, %arg4: memref<8x128xf32, #tpu.memory_space<vmem>>, %arg5: memref<256x128xf32, #tpu.memory_space<vmem>>, %arg6: memref<256x128xf32, #tpu.memory_space<vmem>>) attributes {dimension_semantics = [#tpu.dimension_semantics<arbitrary>], iteration_bounds = array<i64: 40>, scalar_prefetch = 0 : i64, scratch_operands = 0 : i64, tpu.core_type = #tpu.core_type<tc>, window_params = [{transform_indices = @transform_0, window_bounds = array<i64: 256, 128>}, {pipeline_mode = #tpu.pipeline_mode<synchronous>, transform_indices = @transform_1, window_bounds = array<i64: 8, 128>}, {pipeline_mode = #tpu.pipeline_mode<synchronous>, transform_indices = @transform_2, window_bounds = array<i64: 8, 128>}, {pipeline_mode = #tpu.pipeline_mode<synchronous>, transform_indices = @transform_3, window_bounds = array<i64: 8, 128>}, {transform_indices = @transform_4, window_bounds = array<i64: 256, 128>}, {transform_indices = @transform_5, window_bounds = array<i64: 256, 128>}]} {
    %get3A = arith.constant 0 : index
    %get3A_0 = arith.constant 0 : index
    %get3A_1 = vector.load %arg2[%get3A, %get3A_0] : memref<8x128xf32, #tpu.memory_space<vmem>>, vector<1x128xf32>
    %div3A = arith.constant 1.000000e+04 : f32
    %div3A_2 = vector.broadcast %div3A : f32 to vector<1x128xf32>
    %div3A_3 = arith.divf %get3A_1, %div3A_2 : vector<1x128xf32>
    %get3A_4 = arith.constant 1 : index
    %get3A_5 = arith.constant 0 : index
    %get3A_6 = vector.load %arg2[%get3A_4, %get3A_5] : memref<8x128xf32, #tpu.memory_space<vmem>>, vector<1x128xf32>
    %div3A_7 = arith.constant 1.000000e+04 : f32
    %div3A_8 = vector.broadcast %div3A_7 : f32 to vector<1x128xf32>
    %div3A_9 = arith.divf %get3A_6, %div3A_8 : vector<1x128xf32>
    %mul3A = arith.mulf %div3A_3, %div3A_3 : vector<1x128xf32>
    %sub3A = arith.subf %div3A_9, %mul3A : vector<1x128xf32>
    %get3A_10 = arith.constant 0 : index
    %get3A_11 = arith.constant 0 : index
    %get3A_12 = vector.load %arg1[%get3A_10, %get3A_11] : memref<256x128xf32, #tpu.memory_space<vmem>>, vector<256x128xf32>
    %sub3A_13 = vector.broadcast %div3A_3 : vector<1x128xf32> to vector<256x128xf32>
    %sub3A_14 = arith.subf %get3A_12, %sub3A_13 : vector<256x128xf32>
    %add3A = arith.constant 9.99999974E-6 : f32
    %add3A_15 = vector.broadcast %add3A : f32 to vector<1x128xf32>
    %add3A_16 = arith.addf %sub3A, %add3A_15 : vector<1x128xf32>
    %rsqrt3A = math.rsqrt %add3A_16 : vector<1x128xf32>
    %mul3A_17 = vector.broadcast %rsqrt3A : vector<1x128xf32> to vector<256x128xf32>
    %mul3A_18 = arith.mulf %sub3A_14, %mul3A_17 : vector<256x128xf32>
    %get3A_19 = arith.constant 0 : index
    %get3A_20 = arith.constant 0 : index
    %get3A_21 = vector.load %arg3[%get3A_19, %get3A_20] : memref<8x128xf32, #tpu.memory_space<vmem>>, vector<1x128xf32>
    %mul3A_22 = vector.broadcast %get3A_21 : vector<1x128xf32> to vector<256x128xf32>
    %mul3A_23 = arith.mulf %mul3A_18, %mul3A_22 : vector<256x128xf32>
    %get3A_24 = arith.constant 0 : index
    %get3A_25 = arith.constant 0 : index
    %get3A_26 = vector.load %arg4[%get3A_24, %get3A_25] : memref<8x128xf32, #tpu.memory_space<vmem>>, vector<1x128xf32>
    %add3A_27 = vector.broadcast %get3A_26 : vector<1x128xf32> to vector<256x128xf32>
    %add3A_28 = arith.addf %mul3A_23, %add3A_27 : vector<256x128xf32>
    %get3A_29 = arith.constant 0 : index
    %get3A_30 = arith.constant 0 : index
    %get3A_31 = vector.load %arg5[%get3A_29, %get3A_30] : memref<256x128xf32, #tpu.memory_space<vmem>>, vector<256x128xf32>
    %add3A_32 = arith.addf %add3A_28, %get3A_31 : vector<256x128xf32>
    %max3A = arith.constant 0.000000e+00 : f32
    %max3A_33 = vector.broadcast %max3A : f32 to vector<256x128xf32>
    %max3A_34 = arith.maximumf %add3A_32, %max3A_33 : vector<256x128xf32>
    %swap3A = arith.constant 0 : index
    %swap3A_35 = arith.constant 0 : index
    %swap3A_36 = vector.load %arg6[%swap3A, %swap3A_35] : memref<256x128xf32, #tpu.memory_space<vmem>>, vector<256x128xf32>
    tpu.vector_store %arg6[%swap3A, %swap3A_35], %max3A_34 {strides = array<i32>} : memref<256x128xf32, #tpu.memory_space<vmem>>, vector<256x128xf32>,
    return
  }
  func.func @transform_0(%arg0: i32) -> (i32, i32) {
    %c0_i32 = arith.constant 0 : i32
    %c0_i32_0 = arith.constant 0 : i32
    return %arg0, %c0_i32 : i32, i32
  }
  func.func @transform_1(%arg0: i32) -> (i32, i32) {
    %c0_i32 = arith.constant 0 : i32
    %c0_i32_0 = arith.constant 0 : i32
    %c0_i32_1 = arith.constant 0 : i32
    return %c0_i32, %c0_i32_0 : i32, i32
  }
  func.func @transform_2(%arg0: i32) -> (i32, i32) {
    %c0_i32 = arith.constant 0 : i32
    %c0_i32_0 = arith.constant 0 : i32
    %c0_i32_1 = arith.constant 0 : i32
    return %c0_i32, %c0_i32_0 : i32, i32
  }
  func.func @transform_3(%arg0: i32) -> (i32, i32) {
    %c0_i32 = arith.constant 0 : i32
    %c0_i32_0 = arith.constant 0 : i32
    %c0_i32_1 = arith.constant 0 : i32
    return %c0_i32, %c0_i32_0 : i32, i32
  }
  func.func @transform_4(%arg0: i32) -> (i32, i32) {
    %c0_i32 = arith.constant 0 : i32
    %c0_i32_0 = arith.constant 0 : i32
    return %arg0, %c0_i32 : i32, i32
  }
  func.func @transform_5(%arg0: i32) -> (i32, i32) {
    %c0_i32 = arith.constant 0 : i32
    %c0_i32_0 = arith.constant 0 : i32
    return %arg0, %c0_i32 : i32, i32
  }
}

</mosaic_0001>

<sc_bundles>
// kernel: kernel.13.cloned.1.call-start
scs
__scs_entry_jumppad:
0x0: {  	(pc) =	sbr.rel $0x88, $3  }
0x1: {  	(tag) =	ssettag $0x0;
	lr =	simm.s32 $0x1  }
0x2: {  	[smem:$0x3F95] =	sst lr;
	_ =	strace $0xD0000000  }
0x3: {  	_ = 	snop  }
0x4: {  	_ = 	snop  }
0x5: {  	_ = 	snop  }
0x6: {  	_ = 	snop  }
0x7: {  	_ = 	snop  }
__scs_overlays_trampoline_lowered:
0x8: {  	[smem:$0x3FA4] =	sst s0  }
0x9: {  	[smem:$0x3FA5] =	sst s1  }
0xa: {  	[smem:$0x3FA6] =	sst s2  }
0xb: {  	[smem:$0x3FA7] =	sst s3  }
0xc: {  	[smem:$0x3FA8] =	sst s4  }
0xd: {  	[smem:$0x3FA9] =	sst s5  }
0xe: {  	[smem:$0x3FAA] =	sst s6  }
0xf: {  	[smem:$0x3FAB] =	sst s7  }
0x10: {  	[smem:$0x3FAC] =	sst s8  }
0x11: {  	[smem:$0x3FAD] =	sst s9;
	s0 =	simm.s32 @!p0 $0x0  }
0x12: {  	s1 =	sld [smem:$0x3F93];
	s0 =	simm.s32 @p0 $0x1  }
0x13: {  	[smem:$0x3FAE] =	sst s0;
	s0 =	simm.s32 @!p1 $0x0  }
0x14: {  	s2 =	sld [smem:$0x3F92];
	s0 =	simm.s32 @p1 $0x1  }
0x15: {  	[smem:$0x3FAF] =	sst s0;
	s0 =	simm.s32 @!p2 $0x0  }
0x16: {  	s3 =	sld [smem:$0x3FDB];
	s0 =	simm.s32 @p2 $0x1  }
0x17: {  	s4 =	simm.s32 $0x1BF5;
	[smem:$0x3FB1] =	sst s0  }
0x18: {  	s0 =	sld [smem:$0x3F94];
	_ =	swait.ge [sflag:s4], $0x0  }
0x19: {  	s7 =	sld [smem:$0x3F95]  }
0x1a: {  	s8 =	sadd.s32 $0xFFFFE003, lr  }
0x1b: {  	s9 =	sadd.s32 $0xFFFFFEF7, lr;
	s5 =	simm.s32 $0xFFFFFFFF;
	p2 =	slt.u32 s8, $0xFFFFF086  }
0x1c: {  	p1 =	slt.u32 s9, $0xF7A;
	s5 =	simm.s32 @!p2 $0x0  }
0x1d: {  	s5 =	simm.s32 @p1 $0x1;
	p0 =	seq.s32 s7, s2  }
0x1e: {  	s7 =	smul.u32 @!p0 $0xF7A, s2;
	p2 =	seq.s32 @!p0 s5, $0x0  }
0x1f: {  	s9 =	smul.u32 $0xF7A, s1;
	s8 =	simm.s32 @!p0 $0x1BF5;
	p2 =	por !p2, p0  }
0x20: {  	[sflag:s8] =	ssyncset.s32 @!p0 $0xFFFFF086;
	s6 =	sadd.s32 @!p0 s3, s7;
	s7 =	simm.s32 @!p0 $0x108  }
0x21: {  	s3 =	sadd.s32 s3, s9;
	s6 =	sadd.s32 @!p0 $0x88, s6;
	s7 =	simm.s32 @p2 $0x1082  }
0x22: {  	[simem:s7], [sflag:s8] =	dma.local @!p0 [hbm:s6], $0xF7A  }
0x23: {  	s9 =	sor.u32 $0xD0000000, s2;
	s6 =	simm.s32 $0x108;
	_ =	swait.ge @!p0 [sflag:s8], $0x0  }
0x24: {  	s3 =	sadd.s32 $0x88, s3;
	s6 =	simm.s32 @!p1 $0x1082;
	[sflag:s4] =	ssyncset.s32 $0xFFFFF086  }
0x25: {  	[simem:s6], [sflag:s4] =	dma.local [hbm:s3], $0xF7A  }
0x26: {  	[smem:$0x3F95] =	sst s1;
	(tag) =	ssettag s2;
	_ =	strace s9  }
0x27: {  	s1 =	sld [smem:$0x3FA5]  }
0x28: {  	s2 =	sld [smem:$0x3FA6]  }
0x29: {  	s4 =	sld [smem:$0x3FA8]  }
0x2a: {  	p0 =	seq.s32 s5, $0x0;
	s5 =	sld [smem:$0x3FA9]  }
0x2b: {  	s6 =	sld [smem:$0x3FAA]  }
0x2c: {  	s7 =	sld [smem:$0x3FAB]  }
0x2d: {  	s3 =	simm.s32 $0x108;
	s8 =	sld [smem:$0x3FAC]  }
0x2e: {  	s3 =	simm.s32 @!p0 $0x1082;
	s9 =	sld [smem:$0x3FAD]  }
0x2f: {  	lr =	sadd.s32 s0, s3;
	s0 =	sld [smem:$0x3FA4]  }
0x30: {  	s3 =	sld [smem:$0x3FA7]  }
0x31: {  	[smem:$0x3FB0] =	sst s10  }
0x32: {  	s10 =	sld [smem:$0x3FAE];
	_ =	sdelay $0x3  }
0x33: {  	p0 =	seq.s32 s10, $0x1;
	s10 =	sld [smem:$0x3FB0];
	_ =	sdelay $0x3  }
0x34: {  	[smem:$0x3FB0] =	sst s10  }
0x35: {  	s10 =	sld [smem:$0x3FAF];
	_ =	sdelay $0x3  }
0x36: {  	p1 =	seq.s32 s10, $0x1;
	s10 =	sld [smem:$0x3FB0];
	_ =	sdelay $0x3  }
0x37: {  	[smem:$0x3FB0] =	sst s10  }
0x38: {  	s10 =	sld [smem:$0x3FB1]  }
0x39: {  	_ = 	snop;
	(pc) =	sbr.ind lr, $3  }
0x3a: {  	_ = 	snop  }
0x3b: {  	_ = 	snop  }
0x3c: {  	p2 =	seq.s32 s10, $0x1;
	s10 =	sld [smem:$0x3FB0]  }
0x3d: {  	_ =	shalt  }
0x3e: {  	_ =	shalt  }
0x3f: {  	_ =	shalt  }
0x40: {  	_ =	shalt  }
0x41: {  	_ =	shalt  }
0x42: {  	_ =	shalt  }
0x43: {  	_ =	shalt  }
0x44: {  	_ =	shalt  }
0x45: {  	_ =	shalt  }
0x46: {  	_ =	shalt  }
0x47: {  	_ =	shalt  }
0x48: {  	_ =	shalt  }
0x49: {  	_ =	shalt  }
0x4a: {  	_ =	shalt  }
0x4b: {  	_ =	shalt  }
0x4c: {  	_ =	shalt  }
0x4d: {  	_ =	shalt  }
0x4e: {  	_ =	shalt  }
0x4f: {  	_ =	shalt  }
0x50: {  	_ =	shalt  }
0x51: {  	_ =	shalt  }
0x52: {  	_ =	shalt  }
0x53: {  	_ =	shalt  }
0x54: {  	_ =	shalt  }
0x55: {  	_ =	shalt  }
0x56: {  	_ =	shalt  }
0x57: {  	_ =	shalt  }
0x58: {  	_ =	shalt  }
0x59: {  	_ =	shalt  }
0x5a: {  	_ =	shalt  }
0x5b: {  	_ =	shalt  }
0x5c: {  	_ =	shalt  }
0x5d: {  	_ =	shalt  }
0x5e: {  	_ =	shalt  }
0x5f: {  	_ =	shalt  }
0x60: {  	_ =	shalt  }
0x61: {  	_ =	shalt  }
0x62: {  	_ =	shalt  }
0x63: {  	_ =	shalt  }
0x64: {  	_ =	shalt  }
0x65: {  	_ =	shalt  }
0x66: {  	_ =	shalt  }
0x67: {  	_ =	shalt  }
0x68: {  	_ =	shalt  }
0x69: {  	_ =	shalt  }
0x6a: {  	_ =	shalt  }
0x6b: {  	_ =	shalt  }
0x6c: {  	_ =	shalt  }
0x6d: {  	_ =	shalt  }
0x6e: {  	_ =	shalt  }
0x6f: {  	_ =	shalt  }
0x70: {  	_ =	shalt  }
0x71: {  	_ =	shalt  }
0x72: {  	_ =	shalt  }
0x73: {  	_ =	shalt  }
0x74: {  	_ =	shalt  }
0x75: {  	_ =	shalt  }
0x76: {  	_ =	shalt  }
0x77: {  	_ =	shalt  }
0x78: {  	_ =	shalt  }
0x79: {  	_ =	shalt  }
0x7a: {  	_ =	shalt  }
0x7b: {  	_ =	shalt  }
0x7c: {  	_ =	shalt  }
0x7d: {  	_ =	shalt  }
0x7e: {  	_ =	shalt  }
0x7f: {  	_ =	shalt  }
0x80: {  	_ =	shalt  }
0x81: {  	_ =	shalt  }
0x82: {  	_ =	shalt  }
0x83: {  	_ =	shalt  }
0x84: {  	_ =	shalt  }
0x85: {  	_ =	shalt  }
0x86: {  	_ =	shalt  }
0x87: {  	_ =	shalt  }
.Lfunc_end0:
.L_simem_size_0:
called_computation_lowered:
.L_overlay_start_0:
0x88: {  	s2 =	sld [smem:$0x3FD9]  }
0x89: {  	s3 =	sld [smem:$0x3FFE];
	_ =	sdelay $0x1  }
0x8a: {  	s1 =	srdreg.scid  }
0x8b: {  	s0 =	sand.u32 $0x1, s1  }
0x8c: {  	s17 =	sshll.u32 s0, $0xA;
	s2 =	sadd.s32 s3, s2  }
0x8d: {  	s2 =	sadd.s32 s2, s17  }
0x8e: {  	[smem:$0x3FBC] =	sst s2  }
0x8f: {  	_ = 	snop  }
0x90: {  	s2 =	sld [smem:$0x3FD0];
	(tm) =	ssettm $0x1  }
0x91: {  	s18 =	sld [smem:$0x3FFB];
	_ =	sdelay $0x3  }
0x92: {  	_ =	strace s18  }
0x93: {  	s3 =	sld [smem:$0x3FFC];
	_ =	sdelay $0x3  }
0x94: {  	_ =	strace s3  }
0x95: {  	s3 =	sld [smem:$0x3FFD];
	_ =	sdelay $0x3  }
0x96: {  	_ =	strace s3  }
0x97: {  	_ =	strace $0x8FFFFFFF  }
0x98: {  	s19 =	sld [smem:$0x3FDB];
	_ =	sdelay $0x1  }
0x99: {  	s4 =	simm.s32 $_scs_section_size  }
0x9a: {  	s5 =	simm.s32 $_size__tile_overlayer_lowered;
	s6 =	simm.s32 $_tile_overlayer_lowered  }
0x9b: {  	s22 =	simm.s32 $0x1BFF;
	s21 =	sshll.u32 s6, $0x1;
	s3 =	sadd.s32 s4, s19  }
0x9c: {  	s7 =	simm.s32 $0x0;
	s20 =	sshll.u32 s5, $0x1;
	s5 =	sadd.s32 s21, s3  }
0x9d: {  	[timem:s7], [sflag:s22] =	dma.local [hbm:s5], s20  }
0x9e: {  	_ =	swait.ge [sflag:s22], s20  }
0x9f: {  	s4 =	ssub.s32 $0x0, s20;
	[sflag:s22] =	ssyncset.done $0x0  }
0xa0: {  	[sflag:s22] =	ssyncadd.s32 s4;
	_ =	sdelay $0x1  }
0xa1: {  	s23 =	simm.s32 $0x1B8B  }
0xa2: {  	_ =	swait.ge [sflag:s23], $0x1  }
0xa3: {  	[sflag:s23] =	ssyncset.done $0x0  }
0xa4: {  	s25 =	simm.s32 $0x1B8E;
	s24 =	sld [smem:$0x3FFE];
	[sflag:s23] =	ssyncadd.s32 $0xFFFFFFFF  }
0xa5: {  	s26 =	simm.s32 $execute0_lowered;
	[smem:$0x3FD2] =	sst s25  }
0xa6: {  	s5 =	sshll.u32 s26, $0x1;
	_ =	strace $0x80000046;
	[dreg:$0x1] =	wrdreg $0xFFFFFFFF  }
0xa7: {  	s28 =	simm.s32 $_size_execute0_lowered;
	s3 =	sadd.s32 s3, s5;
	[dreg:$0x0] =	wrdreg $0x0  }
0xa8: {  	s5 =	sshll.u32 s28, $0x1;
	[dreg:$0x2] =	wrdreg s3  }
0xa9: {  	[dreg:$0x3] =	wrdreg s5  }
0xaa: {  	[dreg:$0x4] =	wrdreg $0xC0  }
0xab: {  	_ =	task [dreg:s7], $0x5FFFF  }
0xac: {  	[dreg:$0x1] =	wrdreg $0xFFFFFFFF  }
0xad: {  	[dreg:$0x0] =	wrdreg $0x60  }
0xae: {  	[dreg:$0x2] =	wrdreg s24  }
0xaf: {  	[dreg:$0x3] =	wrdreg s2  }
0xb0: {  	[dreg:$0x4] =	wrdreg $0x9  }
0xb1: {  	_ =	task.clear_ibuf [dreg:s7], $0x5FFFF;
	_ =	strace $0x90000046  }
0xb2: {  	s29 =	simm.s32 $0x9;
	_ =	strace $0x80000048  }
0xb3: {  	_ =	swait.ge [sflag:s29], $0x1  }
0xb4: {  	[sflag:s29] =	ssyncadd.s32 $0xFFFFFFFF  }
0xb5: {  	_ =	strace $0x90000048  }
0xb6: {  	_ =	sfence  }
0xb7: {  	s30 =	sld [smem:$0x0];
	_ =	sdelay $0x2  }
0xb8: {  	s31 =	sshll.u32 s1, $0xD;
	s1 =	sshrl.u32 s1, $0x2  }
0xb9: {  	s3 =	sand.u32 $0x4000, s31;
	s1 =	sadd.s32 s1, s30  }
0xba: {  	s0 =	sor.u32 s3, s0;
	s1 =	sshll.u32 s1, $0x11  }
0xbb: {  	s0 =	sor.u32 s1, s0  }
0xbc: {  	s0 =	sadd.s32 $0x8F2B, s0  }
0xbd: {  	[sflag:s0] =	ssyncadd.remote.s32 $0x1  }
0xbe: {  	_ =	sfence.sel $0xFFFF  }
0xbf: {  	[dreg:$0x0] =	wrdreg $0xFFFFFFFF;
	(pc) =	sbr.abs _section_cstart, $3  }
0xc0: {  	[dreg:$0x1] =	wrdreg $0xFFFFFFFF  }
0xc1: {  	_ =	task.clear_ibuf [dreg:s7], $0x2FFFF;
	_ =	strace $0x9FFFFFFF  }
0xc2: {  	(tm) =	ssettm $0x7FFFFFFF  }
0xc3: {  	_ =	shalt  }
tec
execute0_lowered:
.L_overlay_start_1:
0x0: {  	(tag) =	ssettag $0x1  }
0x1: {  	s1 =	srdreg.scid  }
0x2: {  	s0 =	stileid.u32;
	s4 =	rddreg [dreg:$0x0]  }
0x3: {  	s5 =	rddreg [dreg:$0x1];
	s13 =	simm.s32 $0x5400;
	s15 =	simm.s32 $0x9400  }
0x4: {  	s16 =	simm.s32 $0x180;
	s17 =	simm.s32 $0xD400;
	s18 =	simm.s32 $0x1  }
0x5: {  	s19 =	simm.s32 $0x2;
	s20 =	simm.s32 $0x3;
	s21 =	simm.s32 $0x4  }
0x6: {  	s22 =	simm.s32 $0x5;
	s23 =	simm.s32 $0x6;
	s24 =	simm.s32 $0x7  }
0x7: {  	s25 =	simm.s32 $0x8;
	s26 =	simm.s32 $0x0;
	s7 =	smul.u32 $0x140000, s0  }
0x8: {  	s1 =	sand.u32 $0x1, s1;
	s2 =	sshll.u32 s0, $0x1;
	s8 =	smul.u32 $0x280, s0  }
0x9: {  	s3 =	sadd.s32 $0x2E000, s4;
	s12 =	sadd.s32 $0x58000, s4;
	s10 =	smul.u32 $0x140, s1  }
0xa: {  	s2 =	sor.u32 s1, s2;
	s9 =	ssub.s32 $0x2, s1;
	s1 =	smul.u32 $0xA0000, s1  }
0xb: {  	s6 =	smul.u32 $0x280, s2;
	s2 =	simm.s32 $0x0;
	s11 =	sshrl.u32 s9, $0x1  }
0xc: {  	[smem:$0x7FF] =	sst s2;
	s9 =	ssub.s32 s9, s11;
	s8 =	sadd.s32 s10, s8  }
.Ltmp0:
0xd: {  	s1 =	sadd.s32 s1, s7;
	s10 =	simm.s32 $0x9;
	(pc) =	sbr.rel .LBB2_1-.Ltmp0, $4  }
0xe: {  	s11 =	simm.s32 $0x80;
	_ =	strace $0x80000047;
	s4 =	sadd.s32 s5, s6  }
0xf: {  	s30 =	sshll.u32 s8, $0x8;
	s5 =	smax.u32 s9, $0x1;
	s1 =	sshrl.u32 s1, $0x3  }
0x10: {  	s31 =	sadd.s32 s30, s12;
	s6 =	sadd.s32 s1, s12;
	s12 =	simm.s32 $0x1400  }
0x11: {  	s7 =	sadd.s32 $0x1800, s31;
	s8 =	sadd.s32 $0x1000, s31;
	s9 =	sadd.s32 $0x800, s31  }
.LBB2_4:
0x12: {  	_ =	swait.ge [sflag:s23], $0x4000  }
0x13: {  	[sflag:s23] =	ssyncset.done $0x0  }
0x14: {  	s26 =	sadd.s32 $0x1, s26;
	[sflag:s23] =	ssyncadd.s32 $0xFFFFC000  }
0x15: {  	p0 =	sne.s32 s26, s5;
	_ =	swait.ge [sflag:s24], $0x4000  }
.Ltmp1:
0x16: {  	[sflag:s24] =	ssyncset.done $0x0;
	(pc) =	sbr.rel @!p0 .LBB2_5-.Ltmp1, $4  }
0x17: {  	[sflag:s24] =	ssyncadd.s32 $0xFFFFC000  }
0x18: {  	_ =	swait.ge [sflag:s25], $0x4000  }
0x19: {  	[sflag:s25] =	ssyncset.done $0x0  }
0x1a: {  	[sflag:s25] =	ssyncadd.s32 $0xFFFFC000  }
.LBB2_1:
0x1b: {  	[tilespmem:s2], [sflag:$0x9] =	stream.linear.gather [hbm4b:s4+s2], $0x1400, $0x38;
	[tilespmem:$0x11400] =	vst v63  }
0x1c: {  	_ =	swait.ge [sflag:s10], $0x1400  }
0x1d: {  	[sflag:s10] =	ssyncset.done $0x0  }
0x1e: {  	[sflag:s10] =	ssyncadd.s32 $0xFFFFEC00  }
0x1f: {  	[tilespmem:s12], [sflag:$0x1] =	stream.indirect.gather [hbm4b:s3+s11], $0x80, s2, s11, $0xb8;
	[tilespmem:$0x11400] =	vst v63  }
0x20: {  	_ = 	snop  }
0x21: {  	[tilespmem:s13], [sflag:$0x2] =	stream.indirect.gather [hbm4b:s3+s11], $0x80, s11, s11, $0xb8;
	[tilespmem:$0x11400] =	vst v63  }
0x22: {  	s0 =	simm.s32 $0x100;
	s28 =	smov.u32 s9;
	s29 =	smov.u32 s8  }
0x23: {  	[tilespmem:s15], [sflag:$0x3] =	stream.indirect.gather [hbm4b:s3+s11], $0x80, s0, s11, $0xb8;
	[tilespmem:$0x11400] =	vst v63  }
0x24: {  	s30 =	smov.u32 s7;
	s31 =	smov.u32 s6;
	s1 =	simm.s32 $0x0  }
0x25: {  	[tilespmem:s17], [sflag:$0x4] =	stream.indirect.gather [hbm4b:s3+s11], $0x80, s16, s11, $0xb8;
	[tilespmem:$0x11400] =	vst v63  }
.LBB2_2:
0x26: {  	_ =	swait.ge [sflag:s18], $0x4000  }
0x27: {  	[sflag:s18] =	ssyncset.done $0x0  }
0x28: {  	[sflag:s18] =	ssyncadd.s32 $0xFFFFC000  }
0x29: {  	[hbm4b:s31+s2] =	stream.linear.scatter [tilespmem:s12], [sflag:$0x5], $0x4000, $0x38;
	[tilespmem:$0x11400] =	vst v63  }
0x2a: {  	_ =	swait.ge [sflag:s19], $0x4000  }
0x2b: {  	[sflag:s19] =	ssyncset.done $0x0  }
0x2c: {  	[sflag:s19] =	ssyncadd.s32 $0xFFFFC000  }
0x2d: {  	[hbm4b:s28+s2] =	stream.linear.scatter [tilespmem:s13], [sflag:$0x6], $0x4000, $0x38;
	[tilespmem:$0x11400] =	vst v63  }
0x2e: {  	_ =	swait.ge [sflag:s20], $0x4000  }
0x2f: {  	[sflag:s20] =	ssyncset.done $0x0  }
0x30: {  	[sflag:s20] =	ssyncadd.s32 $0xFFFFC000  }
0x31: {  	[hbm4b:s29+s2] =	stream.linear.scatter [tilespmem:s15], [sflag:$0x7], $0x4000, $0x38;
	[tilespmem:$0x11400] =	vst v63  }
0x32: {  	_ =	swait.ge [sflag:s21], $0x4000  }
0x33: {  	p0 =	seq.s32 s1, $0x4800;
	[sflag:s21] =	ssyncset.done $0x0  }
.Ltmp2:
0x34: {  	[sflag:s21] =	ssyncadd.s32 $0xFFFFC000;
	(pc) =	sbr.rel @p0 .LBB2_4-.Ltmp2, $4  }
0x35: {  	[hbm4b:s30+s2] =	stream.linear.scatter [tilespmem:s17], [sflag:$0x8], $0x4000, $0x38;
	[tilespmem:$0x11400] =	vst v63  }
0x36: {  	_ =	swait.ge [sflag:s22], $0x4000  }
0x37: {  	[sflag:s22] =	ssyncset.done $0x0  }
0x38: {  	[sflag:s22] =	ssyncadd.s32 $0xFFFFC000  }
0x39: {  	s0 =	sshra.s32 s1, $0x2  }
0x3a: {  	s14 =	sadd.s32 $0x200, s0  }
0x3b: {  	[tilespmem:s12], [sflag:$0x1] =	stream.indirect.gather [hbm4b:s3+s11], $0x80, s14, s11, $0xb8;
	[tilespmem:$0x11400] =	vst v63  }
0x3c: {  	_ =	swait.ge [sflag:s23], $0x4000  }
0x3d: {  	[sflag:s23] =	ssyncset.done $0x0  }
0x3e: {  	s14 =	sadd.s32 $0x280, s0;
	[sflag:s23] =	ssyncadd.s32 $0xFFFFC000  }
0x3f: {  	[tilespmem:s13], [sflag:$0x2] =	stream.indirect.gather [hbm4b:s3+s11], $0x80, s14, s11, $0xb8;
	[tilespmem:$0x11400] =	vst v63  }
0x40: {  	_ =	swait.ge [sflag:s24], $0x4000  }
0x41: {  	[sflag:s24] =	ssyncset.done $0x0  }
0x42: {  	s14 =	sadd.s32 $0x300, s0;
	[sflag:s24] =	ssyncadd.s32 $0xFFFFC000  }
0x43: {  	[tilespmem:s15], [sflag:$0x3] =	stream.indirect.gather [hbm4b:s3+s11], $0x80, s14, s11, $0xb8;
	[tilespmem:$0x11400] =	vst v63  }
.Ltmp3:
0x44: {  	_ = 	snop;
	(pc) =	sbr.rel .LBB2_2-.Ltmp3, $4  }
0x45: {  	s1 =	sadd.s32 $0x800, s1;
	s31 =	sadd.s32 $0x2000, s31;
	_ =	swait.ge [sflag:s25], $0x4000  }
0x46: {  	s30 =	sadd.s32 $0x2000, s30;
	s29 =	sadd.s32 $0x2000, s29;
	[sflag:s25] =	ssyncset.done $0x0  }
0x47: {  	s28 =	sadd.s32 $0x2000, s28;
	s0 =	sadd.s32 $0x380, s0;
	[sflag:s25] =	ssyncadd.s32 $0xFFFFC000  }
0x48: {  	[tilespmem:s17], [sflag:$0x4] =	stream.indirect.gather [hbm4b:s3+s11], $0x80, s0, s11, $0xb8;
	[tilespmem:$0x11400] =	vst v63  }
.LBB2_5:
0x49: {  	_ =	sfence.sel $0x180000  }
0x4a: {  	[bflag:$0x0] =	sbarrier.arrive $0xFFFF  }
0x4b: {  	_ =	strace $0x90000047  }
0x4c: {  	s0 =	stileid.u32;
	[bflag:$0x2] =	sbarrier.arrive $0xFFFF  }
0x4d: {  	p0 =	sne.s32 s0, $0x0;
	s0 =	rddreg [dreg:$0x2]  }
0x4e: {  	s0 =	sadd.s32 @!p0 $0x100000, s0  }
0x4f: {  	[sflag:s0] =	ssyncadd.tile.s32 @!p0 $0x1;
	_ =	shalt  }
.Lfunc_end2:
_tile_overlayer_lowered:
.L_overlay_start_2:
0x50: {  	(tag) =	ssettag $0x2  }
0x51: {  	s0 =	rddreg [dreg:$0x0];
	s2 =	stileid.u32  }
0x52: {  	s1 =	rddreg [dreg:$0x1];
	p0 =	sne.s32 s2, $0x0  }
0x53: {  	s3 =	rddreg [dreg:$0x2];
	[bflag:$0x3] =	sbarrier.arrive $0xFFFF;
	s2 =	simm.s32 @!p0 $0x1C09  }
0x54: {  	[timem:s3], [sflag:s2] =	dma.local @!p0 [hbm:s0], s1  }
0x55: {  	s0 =	simm.s32 @!p0 $0x9  }
0x56: {  	_ =	swait.ge @!p0 [sflag:s0], s1  }
0x57: {  	s1 =	ssub.s32 @!p0 $0x0, s1;
	[sflag:s0] =	ssyncset.done @!p0 $0x0  }
0x58: {  	[sflag:s0] =	ssyncadd.s32 @!p0 s1  }
0x59: {  	[bflag:$0x3] =	sbarrier.arrive $0xFFFF  }
0x5a: {  	_ =	shalt  }

// kernel: kernel.16.cloned.1.call-start
scs
__scs_entry_jumppad:
0x0: {  	(pc) =	sbr.rel $0x88, $3  }
0x1: {  	(tag) =	ssettag $0x0;
	lr =	simm.s32 $0x1  }
0x2: {  	[smem:$0x3F95] =	sst lr;
	_ =	strace $0xD0000000  }
0x3: {  	_ = 	snop  }
0x4: {  	_ = 	snop  }
0x5: {  	_ = 	snop  }
0x6: {  	_ = 	snop  }
0x7: {  	_ = 	snop  }
__scs_overlays_trampoline_lowered:
0x8: {  	[smem:$0x3FA4] =	sst s0  }
0x9: {  	[smem:$0x3FA5] =	sst s1  }
0xa: {  	[smem:$0x3FA6] =	sst s2  }
0xb: {  	[smem:$0x3FA7] =	sst s3  }
0xc: {  	[smem:$0x3FA8] =	sst s4  }
0xd: {  	[smem:$0x3FA9] =	sst s5  }
0xe: {  	[smem:$0x3FAA] =	sst s6  }
0xf: {  	[smem:$0x3FAB] =	sst s7  }
0x10: {  	[smem:$0x3FAC] =	sst s8  }
0x11: {  	[smem:$0x3FAD] =	sst s9;
	s0 =	simm.s32 @!p0 $0x0  }
0x12: {  	s1 =	sld [smem:$0x3F93];
	s0 =	simm.s32 @p0 $0x1  }
0x13: {  	[smem:$0x3FAE] =	sst s0;
	s0 =	simm.s32 @!p1 $0x0  }
0x14: {  	s2 =	sld [smem:$0x3F92];
	s0 =	simm.s32 @p1 $0x1  }
0x15: {  	[smem:$0x3FAF] =	sst s0;
	s0 =	simm.s32 @!p2 $0x0  }
0x16: {  	s3 =	sld [smem:$0x3FDB];
	s0 =	simm.s32 @p2 $0x1  }
0x17: {  	s4 =	simm.s32 $0x1BF5;
	[smem:$0x3FB1] =	sst s0  }
0x18: {  	s0 =	sld [smem:$0x3F94];
	_ =	swait.ge [sflag:s4], $0x0  }
0x19: {  	s7 =	sld [smem:$0x3F95]  }
0x1a: {  	s8 =	sadd.s32 $0xFFFFE003, lr  }
0x1b: {  	s9 =	sadd.s32 $0xFFFFFEF7, lr;
	s5 =	simm.s32 $0xFFFFFFFF;
	p2 =	slt.u32 s8, $0xFFFFF086  }
0x1c: {  	p1 =	slt.u32 s9, $0xF7A;
	s5 =	simm.s32 @!p2 $0x0  }
0x1d: {  	s5 =	simm.s32 @p1 $0x1;
	p0 =	seq.s32 s7, s2  }
0x1e: {  	s7 =	smul.u32 @!p0 $0xF7A, s2;
	p2 =	seq.s32 @!p0 s5, $0x0  }
0x1f: {  	s9 =	smul.u32 $0xF7A, s1;
	s8 =	simm.s32 @!p0 $0x1BF5;
	p2 =	por !p2, p0  }
0x20: {  	[sflag:s8] =	ssyncset.s32 @!p0 $0xFFFFF086;
	s6 =	sadd.s32 @!p0 s3, s7;
	s7 =	simm.s32 @!p0 $0x108  }
0x21: {  	s3 =	sadd.s32 s3, s9;
	s6 =	sadd.s32 @!p0 $0x88, s6;
	s7 =	simm.s32 @p2 $0x1082  }
0x22: {  	[simem:s7], [sflag:s8] =	dma.local @!p0 [hbm:s6], $0xF7A  }
0x23: {  	s9 =	sor.u32 $0xD0000000, s2;
	s6 =	simm.s32 $0x108;
	_ =	swait.ge @!p0 [sflag:s8], $0x0  }
0x24: {  	s3 =	sadd.s32 $0x88, s3;
	s6 =	simm.s32 @!p1 $0x1082;
	[sflag:s4] =	ssyncset.s32 $0xFFFFF086  }
0x25: {  	[simem:s6], [sflag:s4] =	dma.local [hbm:s3], $0xF7A  }
0x26: {  	[smem:$0x3F95] =	sst s1;
	(tag) =	ssettag s2;
	_ =	strace s9  }
0x27: {  	s1 =	sld [smem:$0x3FA5]  }
0x28: {  	s2 =	sld [smem:$0x3FA6]  }
0x29: {  	s4 =	sld [smem:$0x3FA8]  }
0x2a: {  	p0 =	seq.s32 s5, $0x0;
	s5 =	sld [smem:$0x3FA9]  }
0x2b: {  	s6 =	sld [smem:$0x3FAA]  }
0x2c: {  	s7 =	sld [smem:$0x3FAB]  }
0x2d: {  	s3 =	simm.s32 $0x108;
	s8 =	sld [smem:$0x3FAC]  }
0x2e: {  	s3 =	simm.s32 @!p0 $0x1082;
	s9 =	sld [smem:$0x3FAD]  }
0x2f: {  	lr =	sadd.s32 s0, s3;
	s0 =	sld [smem:$0x3FA4]  }
0x30: {  	s3 =	sld [smem:$0x3FA7]  }
0x31: {  	[smem:$0x3FB0] =	sst s10  }
0x32: {  	s10 =	sld [smem:$0x3FAE];
	_ =	sdelay $0x3  }
0x33: {  	p0 =	seq.s32 s10, $0x1;
	s10 =	sld [smem:$0x3FB0];
	_ =	sdelay $0x3  }
0x34: {  	[smem:$0x3FB0] =	sst s10  }
0x35: {  	s10 =	sld [smem:$0x3FAF];
	_ =	sdelay $0x3  }
0x36: {  	p1 =	seq.s32 s10, $0x1;
	s10 =	sld [smem:$0x3FB0];
	_ =	sdelay $0x3  }
0x37: {  	[smem:$0x3FB0] =	sst s10  }
0x38: {  	s10 =	sld [smem:$0x3FB1]  }
0x39: {  	_ = 	snop;
	(pc) =	sbr.ind lr, $3  }
0x3a: {  	_ = 	snop  }
0x3b: {  	_ = 	snop  }
0x3c: {  	p2 =	seq.s32 s10, $0x1;
	s10 =	sld [smem:$0x3FB0]  }
0x3d: {  	_ =	shalt  }
0x3e: {  	_ =	shalt  }
0x3f: {  	_ =	shalt  }
0x40: {  	_ =	shalt  }
0x41: {  	_ =	shalt  }
0x42: {  	_ =	shalt  }
0x43: {  	_ =	shalt  }
0x44: {  	_ =	shalt  }
0x45: {  	_ =	shalt  }
0x46: {  	_ =	shalt  }
0x47: {  	_ =	shalt  }
0x48: {  	_ =	shalt  }
0x49: {  	_ =	shalt  }
0x4a: {  	_ =	shalt  }
0x4b: {  	_ =	shalt  }
0x4c: {  	_ =	shalt  }
0x4d: {  	_ =	shalt  }
0x4e: {  	_ =	shalt  }
0x4f: {  	_ =	shalt  }
0x50: {  	_ =	shalt  }
0x51: {  	_ =	shalt  }
0x52: {  	_ =	shalt  }
0x53: {  	_ =	shalt  }
0x54: {  	_ =	shalt  }
0x55: {  	_ =	shalt  }
0x56: {  	_ =	shalt  }
0x57: {  	_ =	shalt  }
0x58: {  	_ =	shalt  }
0x59: {  	_ =	shalt  }
0x5a: {  	_ =	shalt  }
0x5b: {  	_ =	shalt  }
0x5c: {  	_ =	shalt  }
0x5d: {  	_ =	shalt  }
0x5e: {  	_ =	shalt  }
0x5f: {  	_ =	shalt  }
0x60: {  	_ =	shalt  }
0x61: {  	_ =	shalt  }
0x62: {  	_ =	shalt  }
0x63: {  	_ =	shalt  }
0x64: {  	_ =	shalt  }
0x65: {  	_ =	shalt  }
0x66: {  	_ =	shalt  }
0x67: {  	_ =	shalt  }
0x68: {  	_ =	shalt  }
0x69: {  	_ =	shalt  }
0x6a: {  	_ =	shalt  }
0x6b: {  	_ =	shalt  }
0x6c: {  	_ =	shalt  }
0x6d: {  	_ =	shalt  }
0x6e: {  	_ =	shalt  }
0x6f: {  	_ =	shalt  }
0x70: {  	_ =	shalt  }
0x71: {  	_ =	shalt  }
0x72: {  	_ =	shalt  }
0x73: {  	_ =	shalt  }
0x74: {  	_ =	shalt  }
0x75: {  	_ =	shalt  }
0x76: {  	_ =	shalt  }
0x77: {  	_ =	shalt  }
0x78: {  	_ =	shalt  }
0x79: {  	_ =	shalt  }
0x7a: {  	_ =	shalt  }
0x7b: {  	_ =	shalt  }
0x7c: {  	_ =	shalt  }
0x7d: {  	_ =	shalt  }
0x7e: {  	_ =	shalt  }
0x7f: {  	_ =	shalt  }
0x80: {  	_ =	shalt  }
0x81: {  	_ =	shalt  }
0x82: {  	_ =	shalt  }
0x83: {  	_ =	shalt  }
0x84: {  	_ =	shalt  }
0x85: {  	_ =	shalt  }
0x86: {  	_ =	shalt  }
0x87: {  	_ =	shalt  }
.Lfunc_end0:
.L_simem_size_0:
called_computation.1_lowered:
.L_overlay_start_0:
0x88: {  	s2 =	sld [smem:$0x3FD9]  }
0x89: {  	s3 =	sld [smem:$0x3FFE];
	_ =	sdelay $0x1  }
0x8a: {  	s1 =	srdreg.scid  }
0x8b: {  	s0 =	sand.u32 $0x1, s1  }
0x8c: {  	s17 =	sshll.u32 s0, $0xA;
	s2 =	sadd.s32 s3, s2  }
0x8d: {  	s2 =	sadd.s32 s2, s17  }
0x8e: {  	[smem:$0x3FBC] =	sst s2  }
0x8f: {  	_ = 	snop  }
0x90: {  	s2 =	sld [smem:$0x3FD0];
	(tm) =	ssettm $0x1  }
0x91: {  	s18 =	sld [smem:$0x3FFB];
	_ =	sdelay $0x3  }
0x92: {  	_ =	strace s18  }
0x93: {  	s3 =	sld [smem:$0x3FFC];
	_ =	sdelay $0x3  }
0x94: {  	_ =	strace s3  }
0x95: {  	s3 =	sld [smem:$0x3FFD];
	_ =	sdelay $0x3  }
0x96: {  	_ =	strace s3  }
0x97: {  	_ =	strace $0x8FFFFFFF  }
0x98: {  	s19 =	sld [smem:$0x3FDB];
	_ =	sdelay $0x1  }
0x99: {  	s4 =	simm.s32 $_scs_section_size  }
0x9a: {  	s5 =	simm.s32 $_size__tile_overlayer_lowered;
	s6 =	simm.s32 $_tile_overlayer_lowered  }
0x9b: {  	s22 =	simm.s32 $0x1BFF;
	s21 =	sshll.u32 s6, $0x1;
	s3 =	sadd.s32 s4, s19  }
0x9c: {  	s7 =	simm.s32 $0x0;
	s20 =	sshll.u32 s5, $0x1;
	s5 =	sadd.s32 s21, s3  }
0x9d: {  	[timem:s7], [sflag:s22] =	dma.local [hbm:s5], s20  }
0x9e: {  	_ =	swait.ge [sflag:s22], s20  }
0x9f: {  	s4 =	ssub.s32 $0x0, s20;
	[sflag:s22] =	ssyncset.done $0x0  }
0xa0: {  	[sflag:s22] =	ssyncadd.s32 s4;
	_ =	sdelay $0x1  }
0xa1: {  	s23 =	simm.s32 $0x1B8B  }
0xa2: {  	_ =	swait.ge [sflag:s23], $0x1  }
0xa3: {  	[sflag:s23] =	ssyncset.done $0x0  }
0xa4: {  	s25 =	simm.s32 $0x1B8E;
	s24 =	sld [smem:$0x3FFE];
	[sflag:s23] =	ssyncadd.s32 $0xFFFFFFFF  }
0xa5: {  	s26 =	simm.s32 $execute0_lowered;
	[smem:$0x3FD2] =	sst s25  }
0xa6: {  	s5 =	sshll.u32 s26, $0x1;
	_ =	strace $0x80000049;
	[dreg:$0x1] =	wrdreg $0xFFFFFFFF  }
0xa7: {  	s28 =	simm.s32 $_size_execute0_lowered;
	s3 =	sadd.s32 s3, s5;
	[dreg:$0x0] =	wrdreg $0x0  }
0xa8: {  	s5 =	sshll.u32 s28, $0x1;
	[dreg:$0x2] =	wrdreg s3  }
0xa9: {  	[dreg:$0x3] =	wrdreg s5  }
0xaa: {  	[dreg:$0x4] =	wrdreg $0xC0  }
0xab: {  	_ =	task [dreg:s7], $0x5FFFF  }
0xac: {  	[dreg:$0x1] =	wrdreg $0xFFFFFFFF  }
0xad: {  	[dreg:$0x0] =	wrdreg $0x60  }
0xae: {  	[dreg:$0x2] =	wrdreg s24  }
0xaf: {  	[dreg:$0x3] =	wrdreg s2  }
0xb0: {  	[dreg:$0x4] =	wrdreg $0x9  }
0xb1: {  	_ =	task.clear_ibuf [dreg:s7], $0x5FFFF;
	_ =	strace $0x90000049  }
0xb2: {  	s29 =	simm.s32 $0x9;
	_ =	strace $0x8000004B  }
0xb3: {  	_ =	swait.ge [sflag:s29], $0x1  }
0xb4: {  	[sflag:s29] =	ssyncadd.s32 $0xFFFFFFFF  }
0xb5: {  	_ =	strace $0x9000004B  }
0xb6: {  	_ =	sfence  }
0xb7: {  	s30 =	sld [smem:$0x0];
	_ =	sdelay $0x2  }
0xb8: {  	s31 =	sshll.u32 s1, $0xD;
	s1 =	sshrl.u32 s1, $0x2  }
0xb9: {  	s3 =	sand.u32 $0x4000, s31;
	s1 =	sadd.s32 s1, s30  }
0xba: {  	s0 =	sor.u32 s3, s0;
	s1 =	sshll.u32 s1, $0x11  }
0xbb: {  	s0 =	sor.u32 s1, s0  }
0xbc: {  	s0 =	sadd.s32 $0x8F2B, s0  }
0xbd: {  	[sflag:s0] =	ssyncadd.remote.s32 $0x1  }
0xbe: {  	_ =	sfence.sel $0xFFFF  }
0xbf: {  	[dreg:$0x0] =	wrdreg $0xFFFFFFFF;
	(pc) =	sbr.abs _section_cstart, $3  }
0xc0: {  	[dreg:$0x1] =	wrdreg $0xFFFFFFFF  }
0xc1: {  	_ =	task.clear_ibuf [dreg:s7], $0x2FFFF;
	_ =	strace $0x9FFFFFFF  }
0xc2: {  	(tm) =	ssettm $0x7FFFFFFF  }
0xc3: {  	_ =	shalt  }
tec
execute0_lowered:
.L_overlay_start_1:
0x0: {  	(tag) =	ssettag $0x1  }
0x1: {  	s1 =	srdreg.scid  }
0x2: {  	s0 =	stileid.u32;
	s4 =	rddreg [dreg:$0x0]  }
0x3: {  	s5 =	rddreg [dreg:$0x1];
	s13 =	simm.s32 $0x5400;
	s15 =	simm.s32 $0x9400  }
0x4: {  	s16 =	simm.s32 $0x180;
	s17 =	simm.s32 $0xD400;
	s18 =	simm.s32 $0x1  }
0x5: {  	s19 =	simm.s32 $0x2;
	s20 =	simm.s32 $0x3;
	s21 =	simm.s32 $0x4  }
0x6: {  	s22 =	simm.s32 $0x5;
	s23 =	simm.s32 $0x6;
	s24 =	simm.s32 $0x7  }
0x7: {  	s25 =	simm.s32 $0x8;
	s26 =	simm.s32 $0x0;
	s7 =	smul.u32 $0x140000, s0  }
0x8: {  	s1 =	sand.u32 $0x1, s1;
	s2 =	sshll.u32 s0, $0x1;
	s8 =	smul.u32 $0x280, s0  }
0x9: {  	s3 =	sadd.s32 $0x2E000, s4;
	s12 =	sadd.s32 $0x58000, s4;
	s10 =	smul.u32 $0x140, s1  }
0xa: {  	s2 =	sor.u32 s1, s2;
	s9 =	ssub.s32 $0x2, s1;
	s1 =	smul.u32 $0xA0000, s1  }
0xb: {  	s6 =	smul.u32 $0x280, s2;
	s2 =	simm.s32 $0x0;
	s11 =	sshrl.u32 s9, $0x1  }
0xc: {  	[smem:$0x7FF] =	sst s2;
	s9 =	ssub.s32 s9, s11;
	s8 =	sadd.s32 s10, s8  }
.Ltmp0:
0xd: {  	s1 =	sadd.s32 s1, s7;
	s10 =	simm.s32 $0x9;
	(pc) =	sbr.rel .LBB2_1-.Ltmp0, $4  }
0xe: {  	s11 =	simm.s32 $0x80;
	_ =	strace $0x8000004A;
	s4 =	sadd.s32 s5, s6  }
0xf: {  	s30 =	sshll.u32 s8, $0x8;
	s5 =	smax.u32 s9, $0x1;
	s1 =	sshrl.u32 s1, $0x3  }
0x10: {  	s31 =	sadd.s32 s30, s12;
	s6 =	sadd.s32 s1, s12;
	s12 =	simm.s32 $0x1400  }
0x11: {  	s7 =	sadd.s32 $0x1800, s31;
	s8 =	sadd.s32 $0x1000, s31;
	s9 =	sadd.s32 $0x800, s31  }
.LBB2_4:
0x12: {  	_ =	swait.ge [sflag:s23], $0x4000  }
0x13: {  	[sflag:s23] =	ssyncset.done $0x0  }
0x14: {  	s26 =	sadd.s32 $0x1, s26;
	[sflag:s23] =	ssyncadd.s32 $0xFFFFC000  }
0x15: {  	p0 =	sne.s32 s26, s5;
	_ =	swait.ge [sflag:s24], $0x4000  }
.Ltmp1:
0x16: {  	[sflag:s24] =	ssyncset.done $0x0;
	(pc) =	sbr.rel @!p0 .LBB2_5-.Ltmp1, $4  }
0x17: {  	[sflag:s24] =	ssyncadd.s32 $0xFFFFC000  }
0x18: {  	_ =	swait.ge [sflag:s25], $0x4000  }
0x19: {  	[sflag:s25] =	ssyncset.done $0x0  }
0x1a: {  	[sflag:s25] =	ssyncadd.s32 $0xFFFFC000  }
.LBB2_1:
0x1b: {  	[tilespmem:s2], [sflag:$0x9] =	stream.linear.gather [hbm4b:s4+s2], $0x1400, $0x38;
	[tilespmem:$0x11400] =	vst v63  }
0x1c: {  	_ =	swait.ge [sflag:s10], $0x1400  }
0x1d: {  	[sflag:s10] =	ssyncset.done $0x0  }
0x1e: {  	[sflag:s10] =	ssyncadd.s32 $0xFFFFEC00  }
0x1f: {  	[tilespmem:s12], [sflag:$0x1] =	stream.indirect.gather [hbm4b:s3+s11], $0x80, s2, s11, $0xb8;
	[tilespmem:$0x11400] =	vst v63  }
0x20: {  	_ = 	snop  }
0x21: {  	[tilespmem:s13], [sflag:$0x2] =	stream.indirect.gather [hbm4b:s3+s11], $0x80, s11, s11, $0xb8;
	[tilespmem:$0x11400] =	vst v63  }
0x22: {  	s0 =	simm.s32 $0x100;
	s28 =	smov.u32 s9;
	s29 =	smov.u32 s8  }
0x23: {  	[tilespmem:s15], [sflag:$0x3] =	stream.indirect.gather [hbm4b:s3+s11], $0x80, s0, s11, $0xb8;
	[tilespmem:$0x11400] =	vst v63  }
0x24: {  	s30 =	smov.u32 s7;
	s31 =	smov.u32 s6;
	s1 =	simm.s32 $0x0  }
0x25: {  	[tilespmem:s17], [sflag:$0x4] =	stream.indirect.gather [hbm4b:s3+s11], $0x80, s16, s11, $0xb8;
	[tilespmem:$0x11400] =	vst v63  }
.LBB2_2:
0x26: {  	_ =	swait.ge [sflag:s18], $0x4000  }
0x27: {  	[sflag:s18] =	ssyncset.done $0x0  }
0x28: {  	[sflag:s18] =	ssyncadd.s32 $0xFFFFC000  }
0x29: {  	[hbm4b:s31+s2] =	stream.linear.scatter [tilespmem:s12], [sflag:$0x5], $0x4000, $0x38;
	[tilespmem:$0x11400] =	vst v63  }
0x2a: {  	_ =	swait.ge [sflag:s19], $0x4000  }
0x2b: {  	[sflag:s19] =	ssyncset.done $0x0  }
0x2c: {  	[sflag:s19] =	ssyncadd.s32 $0xFFFFC000  }
0x2d: {  	[hbm4b:s28+s2] =	stream.linear.scatter [tilespmem:s13], [sflag:$0x6], $0x4000, $0x38;
	[tilespmem:$0x11400] =	vst v63  }
0x2e: {  	_ =	swait.ge [sflag:s20], $0x4000  }
0x2f: {  	[sflag:s20] =	ssyncset.done $0x0  }
0x30: {  	[sflag:s20] =	ssyncadd.s32 $0xFFFFC000  }
0x31: {  	[hbm4b:s29+s2] =	stream.linear.scatter [tilespmem:s15], [sflag:$0x7], $0x4000, $0x38;
	[tilespmem:$0x11400] =	vst v63  }
0x32: {  	_ =	swait.ge [sflag:s21], $0x4000  }
0x33: {  	p0 =	seq.s32 s1, $0x4800;
	[sflag:s21] =	ssyncset.done $0x0  }
.Ltmp2:
0x34: {  	[sflag:s21] =	ssyncadd.s32 $0xFFFFC000;
	(pc) =	sbr.rel @p0 .LBB2_4-.Ltmp2, $4  }
0x35: {  	[hbm4b:s30+s2] =	stream.linear.scatter [tilespmem:s17], [sflag:$0x8], $0x4000, $0x38;
	[tilespmem:$0x11400] =	vst v63  }
0x36: {  	_ =	swait.ge [sflag:s22], $0x4000  }
0x37: {  	[sflag:s22] =	ssyncset.done $0x0  }
0x38: {  	[sflag:s22] =	ssyncadd.s32 $0xFFFFC000  }
0x39: {  	s0 =	sshra.s32 s1, $0x2  }
0x3a: {  	s14 =	sadd.s32 $0x200, s0  }
0x3b: {  	[tilespmem:s12], [sflag:$0x1] =	stream.indirect.gather [hbm4b:s3+s11], $0x80, s14, s11, $0xb8;
	[tilespmem:$0x11400] =	vst v63  }
0x3c: {  	_ =	swait.ge [sflag:s23], $0x4000  }
0x3d: {  	[sflag:s23] =	ssyncset.done $0x0  }
0x3e: {  	s14 =	sadd.s32 $0x280, s0;
	[sflag:s23] =	ssyncadd.s32 $0xFFFFC000  }
0x3f: {  	[tilespmem:s13], [sflag:$0x2] =	stream.indirect.gather [hbm4b:s3+s11], $0x80, s14, s11, $0xb8;
	[tilespmem:$0x11400] =	vst v63  }
0x40: {  	_ =	swait.ge [sflag:s24], $0x4000  }
0x41: {  	[sflag:s24] =	ssyncset.done $0x0  }
0x42: {  	s14 =	sadd.s32 $0x300, s0;
	[sflag:s24] =	ssyncadd.s32 $0xFFFFC000  }
0x43: {  	[tilespmem:s15], [sflag:$0x3] =	stream.indirect.gather [hbm4b:s3+s11], $0x80, s14, s11, $0xb8;
	[tilespmem:$0x11400] =	vst v63  }
.Ltmp3:
0x44: {  	_ = 	snop;
	(pc) =	sbr.rel .LBB2_2-.Ltmp3, $4  }
0x45: {  	s1 =	sadd.s32 $0x800, s1;
	s31 =	sadd.s32 $0x2000, s31;
	_ =	swait.ge [sflag:s25], $0x4000  }
0x46: {  	s30 =	sadd.s32 $0x2000, s30;
	s29 =	sadd.s32 $0x2000, s29;
	[sflag:s25] =	ssyncset.done $0x0  }
0x47: {  	s28 =	sadd.s32 $0x2000, s28;
	s0 =	sadd.s32 $0x380, s0;
	[sflag:s25] =	ssyncadd.s32 $0xFFFFC000  }
0x48: {  	[tilespmem:s17], [sflag:$0x4] =	stream.indirect.gather [hbm4b:s3+s11], $0x80, s0, s11, $0xb8;
	[tilespmem:$0x11400] =	vst v63  }
.LBB2_5:
0x49: {  	_ =	sfence.sel $0x180000  }
0x4a: {  	[bflag:$0x0] =	sbarrier.arrive $0xFFFF  }
0x4b: {  	_ =	strace $0x9000004A  }
0x4c: {  	s0 =	stileid.u32;
	[bflag:$0x2] =	sbarrier.arrive $0xFFFF  }
0x4d: {  	p0 =	sne.s32 s0, $0x0;
	s0 =	rddreg [dreg:$0x2]  }
0x4e: {  	s0 =	sadd.s32 @!p0 $0x100000, s0  }
0x4f: {  	[sflag:s0] =	ssyncadd.tile.s32 @!p0 $0x1;
	_ =	shalt  }
.Lfunc_end2:
_tile_overlayer_lowered:
.L_overlay_start_2:
0x50: {  	(tag) =	ssettag $0x2  }
0x51: {  	s0 =	rddreg [dreg:$0x0];
	s2 =	stileid.u32  }
0x52: {  	s1 =	rddreg [dreg:$0x1];
	p0 =	sne.s32 s2, $0x0  }
0x53: {  	s3 =	rddreg [dreg:$0x2];
	[bflag:$0x3] =	sbarrier.arrive $0xFFFF;
	s2 =	simm.s32 @!p0 $0x1C09  }
0x54: {  	[timem:s3], [sflag:s2] =	dma.local @!p0 [hbm:s0], s1  }
0x55: {  	s0 =	simm.s32 @!p0 $0x9  }
0x56: {  	_ =	swait.ge @!p0 [sflag:s0], s1  }
0x57: {  	s1 =	ssub.s32 @!p0 $0x0, s1;
	[sflag:s0] =	ssyncset.done @!p0 $0x0  }
0x58: {  	[sflag:s0] =	ssyncadd.s32 @!p0 s1  }
0x59: {  	[bflag:$0x3] =	sbarrier.arrive $0xFFFF  }
0x5a: {  	_ =	shalt  }

</sc_bundles>
